<compile_context>
chip_gen: v7x
topology: tpu7x:2x2x1
jax: 0.10.2.dev20260603
libtpu: 0.0.44.dev20260713+nightly
codegen_flags: <defaults>
</compile_context>

<pallas_src>
import functools

import jax
import jax.numpy as jnp
from jax import lax
from jax.experimental import pallas as pl
from jax.experimental.pallas import tpu as pltpu
from jax.experimental.pallas import tpu_sc as plsc

_F32 = jnp.float32


def _ceil_to(a, m):
    return -(-a // m) * m


def _fill_const(ref, rows, width, value):

    def body(r, carry):
        for j in range(width // 16):
            ref[r, pl.ds(j * 16, 16)] = jnp.full((16,), value, _F32)
        return carry

    lax.fori_loop(0, rows, body, 0)


def _zero_acc_slice(rows0, acc, sid, RPT, CH, Dk):
    _fill_const(rows0, CH, Dk, 0.0)
    for k in range(-(-RPT // CH)):
        sz = min(CH, RPT - k * CH)
        pltpu.sync_copy(
            rows0.at[pl.ds(0, sz)], acc.at[pl.ds(sid * RPT + k * CH, sz)]
        )


@functools.cache
def _msg_call(NPAD, Dk, EPW, CH):
    n_iter = EPW // CH
    RPT = NPAD // 16
    mesh = plsc.VectorSubcoreMesh(core_axis_name="c", subcore_axis_name="s")
    NC = 2

    def body(g_hbm, src_hbm, dst_hbm, out_hbm, idxs, idxd, rows, acc, gsem):
        cid = lax.axis_index("c")
        sid = lax.axis_index("s")
        wid = sid * NC + cid

        _zero_acc_slice(rows, acc, sid, RPT, CH, Dk)
        pltpu.sync_copy(src_hbm.at[wid], idxs)
        pltpu.sync_copy(dst_hbm.at[wid], idxd)
        plsc.subcore_barrier()

        def step(i, carry):
            pltpu.async_copy(g_hbm.at[idxs.at[i]], rows, gsem).wait()
            pltpu.sync_copy(rows, acc.at[idxd.at[i]], add=True)
            return carry

        lax.fori_loop(0, n_iter, step, 0)

        plsc.subcore_barrier()
        pltpu.sync_copy(
            acc.at[pl.ds(sid * RPT, RPT)],
            out_hbm.at[pl.ds(cid * NPAD + sid * RPT, RPT)],
        )

    return pl.kernel(
        body,
        out_type=jax.ShapeDtypeStruct((2 * NPAD, Dk), _F32),
        mesh=mesh,
        scratch_types=[
            pltpu.VMEM((n_iter, CH), jnp.int32),
            pltpu.VMEM((n_iter, CH), jnp.int32),
            pltpu.VMEM((CH, Dk), _F32),
            pltpu.VMEM_SHARED((NPAD, Dk), _F32),
            pltpu.SemaphoreType.DMA,
        ],
    )


@functools.cache
def _deg_call(NPAD, EPW, CH):
    n_iter = EPW // CH
    RPT = NPAD // 16
    Dk = 128
    mesh = plsc.VectorSubcoreMesh(core_axis_name="c", subcore_axis_name="s")
    NC = 2

    def body(dst_hbm, out_hbm, dst_v, rows_v, acc):
        cid = lax.axis_index("c")
        sid = lax.axis_index("s")
        wid = sid * NC + cid

        _fill_const(rows_v, CH, Dk, 0.0)
        for k in range(-(-RPT // CH)):
            sz = min(CH, RPT - k * CH)
            pltpu.sync_copy(
                rows_v.at[pl.ds(0, sz)], acc.at[pl.ds(sid * RPT + k * CH, sz)]
            )
        plsc.subcore_barrier()
        _fill_const(rows_v, CH, Dk, 1.0)

        ebase = wid * EPW

        def step(i, carry):
            base = ebase + i * CH
            pltpu.sync_copy(dst_hbm.at[pl.ds(base, CH)], dst_v)
            pltpu.sync_copy(rows_v, acc.at[dst_v], add=True)
            return carry

        lax.fori_loop(0, n_iter, step, 0)

        plsc.subcore_barrier()
        pltpu.sync_copy(
            acc.at[pl.ds(sid * RPT, RPT)],
            out_hbm.at[pl.ds(cid * NPAD + sid * RPT, RPT)],
        )

    return pl.kernel(
        body,
        out_type=jax.ShapeDtypeStruct((2 * NPAD, Dk), _F32),
        mesh=mesh,
        scratch_types=[
            pltpu.VMEM((CH,), jnp.int32),
            pltpu.VMEM((CH, Dk), _F32),
            pltpu.VMEM_SHARED((NPAD, Dk), _F32),
        ],
    )


@functools.cache
def _tc_a(NPAD, D, H):

    def body(hist_ref, x_ref, w_ref, dinv_ref, g_ref):
        deg = hist_ref[0] + hist_ref[1] + 1.0
        dinv = lax.rsqrt(deg)[:, 0:1]
        h = lax.dot_general(
            x_ref[...], w_ref[...], (((1,), (1,)), ((), ())),
            preferred_element_type=_F32,
        )
        dinv_ref[...] = dinv
        g_ref[...] = h * dinv

    return pl.pallas_call(
        body,
        out_shape=[
            jax.ShapeDtypeStruct((NPAD, 1), _F32),
            jax.ShapeDtypeStruct((NPAD, H), _F32),
        ],
    )


@functools.cache
def _tc_bn(NPAD, N, H, with_matmul):

    def body(p_ref, g_ref, dinv_ref, b_ref, gam_ref, bet_ref, *rest):
        s = (p_ref[0] + p_ref[1] + g_ref[...]) * dinv_ref[...] + b_ref[...]
        pre = s[:N]
        mean = jnp.mean(pre, axis=0, keepdims=True)
        cen = pre - mean
        var = jnp.mean(cen * cen, axis=0, keepdims=True)
        h = jnp.maximum(
            cen * lax.rsqrt(var + 1e-5) * gam_ref[...] + bet_ref[...], 0.0
        )
        if with_matmul:
            w_ref, out_ref = rest
            hp = jnp.concatenate([h, jnp.zeros((NPAD - N, H), _F32)], axis=0)
            out_ref[...] = (
                lax.dot_general(
                    hp, w_ref[...], (((1,), (1,)), ((), ())),
                    preferred_element_type=_F32,
                )
                * dinv_ref[...]
            )
        else:
            (out_ref,) = rest
            out_ref[...] = h

    out_shape = jax.ShapeDtypeStruct((NPAD, H) if with_matmul else (N, H), _F32)
    return pl.pallas_call(body, out_shape=out_shape)


def kernel(x, edge_index, W1, b1, gamma1, beta1, W2, b2, gamma2, beta2):
    N, D = x.shape
    H = W1.shape[0]
    E = edge_index.shape[1]
    NPAD = _ceil_to(N + 1, 128)
    CH = 128
    EPAD = _ceil_to(E, 32 * CH)
    EPW = EPAD // 32

    src = edge_index[0].astype(jnp.int32)
    dst = edge_index[1].astype(jnp.int32)
    if EPAD != E:
        pad = jnp.full((EPAD - E,), N, jnp.int32)
        src = jnp.concatenate([src, pad])
        dst = jnp.concatenate([dst, pad])
    src3 = src.reshape(32, EPW // CH, CH)
    dst3 = dst.reshape(32, EPW // CH, CH)
    x_pad = jnp.pad(x, ((0, NPAD - N), (0, 0)))

    hist = _deg_call(NPAD, EPW, CH)(dst).reshape(2, NPAD, H)
    dinv, g1 = _tc_a(NPAD, D, H)(hist, x_pad, W1)
    p1 = _msg_call(NPAD, H, EPW, CH)(g1, src3, dst3).reshape(2, NPAD, H)
    g2 = _tc_bn(NPAD, N, H, True)(
        p1, g1, dinv,
        b1.reshape(1, H), gamma1.reshape(1, H), beta1.reshape(1, H), W2,
    )
    p2 = _msg_call(NPAD, H, EPW, CH)(g2, src3, dst3).reshape(2, NPAD, H)
    out = _tc_bn(NPAD, N, H, False)(
        p2, g2, dinv,
        b2.reshape(1, H), gamma2.reshape(1, H), beta2.reshape(1, H),
    )
    return out

# --- scband reference (transcript-rebuilt; emitter-appended) ---
"""Pipeline reference for scband-gcnlayers-15607911154176 (READ-ONLY COPY).

The authoritative reference and input builder live on the scoring server;
editing this copy changes nothing except your own understanding.
"""

import jax, jax.numpy as jnp
import numpy as np

N = 10000
E = 320000
D = 128
H = 128


def gcn_conv(x, edge_index, W, b):
    n = x.shape[0]
    loop = jnp.arange(n, dtype=edge_index.dtype)
    src = jnp.concatenate([edge_index[0], loop])
    dst = jnp.concatenate([edge_index[1], loop])
    deg = jnp.zeros((n,), dtype=x.dtype).at[dst].add(1.0)
    dinv = jnp.where(deg > 0, jax.lax.rsqrt(deg), 0.0)
    norm = dinv[src] * dinv[dst]
    h = x @ W.T
    msg = jnp.take(h, src, axis=0) * norm[:, None]
    out = jnp.zeros((n, h.shape[1]), dtype=x.dtype).at[dst].add(msg)
    return out + b


def batchnorm(h, gamma, beta):
    mean = jnp.mean(h, axis=0)
    var = jnp.var(h, axis=0)
    return (h - mean) * jax.lax.rsqrt(var + 1e-5) * gamma + beta


def setup_inputs(seed: int = 0):
    key = jax.random.key(seed)
    ks = jax.random.split(key, 4)
    x = jax.random.normal(ks[0], (N, D), dtype=jnp.float32)
    edge_index = jax.random.randint(ks[1], (2, E), 0, N)
    W1 = jax.random.normal(ks[2], (H, D), dtype=jnp.float32) * 0.05
    b1 = jnp.zeros((H,), dtype=jnp.float32)
    gamma1 = jnp.ones((H,), dtype=jnp.float32)
    beta1 = jnp.zeros((H,), dtype=jnp.float32)
    W2 = jax.random.normal(ks[3], (H, H), dtype=jnp.float32) * 0.05
    b2 = jnp.zeros((H,), dtype=jnp.float32)
    gamma2 = jnp.ones((H,), dtype=jnp.float32)
    beta2 = jnp.zeros((H,), dtype=jnp.float32)
    return {"x": x, "edge_index": edge_index, "W1": W1, "b1": b1, "gamma1": gamma1, "beta1": beta1, "W2": W2, "b2": b2, "gamma2": gamma2, "beta2": beta2}


def reference(x, edge_index, W1, b1, gamma1, beta1, W2, b2, gamma2, beta2):
    h = gcn_conv(x, edge_index, W1, b1)
    h = jax.nn.relu(batchnorm(h, gamma1, beta1))
    h = gcn_conv(h, edge_index, W2, b2)
    h = jax.nn.relu(batchnorm(h, gamma2, beta2))
    return h

if __name__ == "__main__":
    import jax
    _d = setup_inputs()
    print(jax.jit(kernel)(*tuple(_d.values())))

</pallas_src>

<mosaic_0001>
#map = affine_map<(d0, d1) -> (0)>
#map1 = affine_map<(d0, d1) -> (0, 0)>
module attributes {stable_mosaic.version = 14 : i64} {
  func.func @body(%arg0: i32, %arg1: i32, %arg2: memref<323584xi32, #tpu.memory_space<hbm>>, %arg3: memref<20224x128xf32, #tpu.memory_space<hbm>>, %arg4: memref<128xi32, #tpu.memory_space<vmem>>, %arg5: memref<128x128xf32, #tpu.memory_space<vmem>>, %arg6: memref<10112x128xf32, #tpu.memory_space<vmem_shared>>) attributes {dimension_semantics = [#tpu.dimension_semantics<core_parallel>, #tpu.dimension_semantics<subcore_parallel>], iteration_bounds = array<i64: 2, 16>, scalar_prefetch = 0 : i64, scratch_operands = 3 : i64, tpu.core_type = #tpu.core_type<sc_vector_subcore>, window_params = [{transform_indices = #map}, {transform_indices = #map1}]} {
    %mul3A = arith.constant 2 : i32
    %mul3A_0 = arith.muli %arg1, %mul3A : i32
    %add3A = arith.addi %mul3A_0, %arg0 : i32
    %scan3A = arith.constant 0 : i32
    %scan3A_1 = arith.constant 0 : i32
    %scan3A_2 = arith.constant 128 : i32
    %scan3A_3 = arith.addi %scan3A_1, %scan3A_2 : i32
    %scan3A_4 = arith.constant 1 : i32
    scf.for %scan3A_48 = %scan3A_1 to %scan3A_3 step %scan3A_4  : i32 {
      %broadcast_in_dim3A = arith.constant 0.000000e+00 : f32
      %broadcast_in_dim3A_49 = vector.broadcast %broadcast_in_dim3A : f32 to vector<16xf32>
      %swap3A = arith.index_cast %scan3A_48 : i32 to index
      %swap3A_50 = arith.constant 0 : index
      %swap3A_51 = tpu.vector_load %arg5[%swap3A, %swap3A_50] {strides = array<i32>} : memref<128x128xf32, #tpu.memory_space<vmem>>, vector<1x16xf32>,
      %swap3A_52 = vector.shape_cast %swap3A_51 : vector<1x16xf32> to vector<16xf32>
      %swap3A_53 = vector.shape_cast %broadcast_in_dim3A_49 : vector<16xf32> to vector<1x16xf32>
      tpu.vector_store %arg5[%swap3A, %swap3A_50], %swap3A_53 {strides = array<i32>} : memref<128x128xf32, #tpu.memory_space<vmem>>, vector<1x16xf32>,
      %broadcast_in_dim3A_54 = arith.constant 0.000000e+00 : f32
      %broadcast_in_dim3A_55 = vector.broadcast %broadcast_in_dim3A_54 : f32 to vector<16xf32>
      %swap3A_56 = arith.index_cast %scan3A_48 : i32 to index
      %swap3A_57 = arith.constant 16 : index
      %swap3A_58 = tpu.vector_load %arg5[%swap3A_56, %swap3A_57] {strides = array<i32>} : memref<128x128xf32, #tpu.memory_space<vmem>>, vector<1x16xf32>,
      %swap3A_59 = vector.shape_cast %swap3A_58 : vector<1x16xf32> to vector<16xf32>
      %swap3A_60 = vector.shape_cast %broadcast_in_dim3A_55 : vector<16xf32> to vector<1x16xf32>
      tpu.vector_store %arg5[%swap3A_56, %swap3A_57], %swap3A_60 {strides = array<i32>} : memref<128x128xf32, #tpu.memory_space<vmem>>, vector<1x16xf32>,
      %broadcast_in_dim3A_61 = arith.constant 0.000000e+00 : f32
      %broadcast_in_dim3A_62 = vector.broadcast %broadcast_in_dim3A_61 : f32 to vector<16xf32>
      %swap3A_63 = arith.index_cast %scan3A_48 : i32 to index
      %swap3A_64 = arith.constant 32 : index
      %swap3A_65 = tpu.vector_load %arg5[%swap3A_63, %swap3A_64] {strides = array<i32>} : memref<128x128xf32, #tpu.memory_space<vmem>>, vector<1x16xf32>,
      %swap3A_66 = vector.shape_cast %swap3A_65 : vector<1x16xf32> to vector<16xf32>
      %swap3A_67 = vector.shape_cast %broadcast_in_dim3A_62 : vector<16xf32> to vector<1x16xf32>
      tpu.vector_store %arg5[%swap3A_63, %swap3A_64], %swap3A_67 {strides = array<i32>} : memref<128x128xf32, #tpu.memory_space<vmem>>, vector<1x16xf32>,
      %broadcast_in_dim3A_68 = arith.constant 0.000000e+00 : f32
      %broadcast_in_dim3A_69 = vector.broadcast %broadcast_in_dim3A_68 : f32 to vector<16xf32>
      %swap3A_70 = arith.index_cast %scan3A_48 : i32 to index
      %swap3A_71 = arith.constant 48 : index
      %swap3A_72 = tpu.vector_load %arg5[%swap3A_70, %swap3A_71] {strides = array<i32>} : memref<128x128xf32, #tpu.memory_space<vmem>>, vector<1x16xf32>,
      %swap3A_73 = vector.shape_cast %swap3A_72 : vector<1x16xf32> to vector<16xf32>
      %swap3A_74 = vector.shape_cast %broadcast_in_dim3A_69 : vector<16xf32> to vector<1x16xf32>
      tpu.vector_store %arg5[%swap3A_70, %swap3A_71], %swap3A_74 {strides = array<i32>} : memref<128x128xf32, #tpu.memory_space<vmem>>, vector<1x16xf32>,
      %broadcast_in_dim3A_75 = arith.constant 0.000000e+00 : f32
      %broadcast_in_dim3A_76 = vector.broadcast %broadcast_in_dim3A_75 : f32 to vector<16xf32>
      %swap3A_77 = arith.index_cast %scan3A_48 : i32 to index
      %swap3A_78 = arith.constant 64 : index
      %swap3A_79 = tpu.vector_load %arg5[%swap3A_77, %swap3A_78] {strides = array<i32>} : memref<128x128xf32, #tpu.memory_space<vmem>>, vector<1x16xf32>,
      %swap3A_80 = vector.shape_cast %swap3A_79 : vector<1x16xf32> to vector<16xf32>
      %swap3A_81 = vector.shape_cast %broadcast_in_dim3A_76 : vector<16xf32> to vector<1x16xf32>
      tpu.vector_store %arg5[%swap3A_77, %swap3A_78], %swap3A_81 {strides = array<i32>} : memref<128x128xf32, #tpu.memory_space<vmem>>, vector<1x16xf32>,
      %broadcast_in_dim3A_82 = arith.constant 0.000000e+00 : f32
      %broadcast_in_dim3A_83 = vector.broadcast %broadcast_in_dim3A_82 : f32 to vector<16xf32>
      %swap3A_84 = arith.index_cast %scan3A_48 : i32 to index
      %swap3A_85 = arith.constant 80 : index
      %swap3A_86 = tpu.vector_load %arg5[%swap3A_84, %swap3A_85] {strides = array<i32>} : memref<128x128xf32, #tpu.memory_space<vmem>>, vector<1x16xf32>,
      %swap3A_87 = vector.shape_cast %swap3A_86 : vector<1x16xf32> to vector<16xf32>
      %swap3A_88 = vector.shape_cast %broadcast_in_dim3A_83 : vector<16xf32> to vector<1x16xf32>
      tpu.vector_store %arg5[%swap3A_84, %swap3A_85], %swap3A_88 {strides = array<i32>} : memref<128x128xf32, #tpu.memory_space<vmem>>, vector<1x16xf32>,
      %broadcast_in_dim3A_89 = arith.constant 0.000000e+00 : f32
      %broadcast_in_dim3A_90 = vector.broadcast %broadcast_in_dim3A_89 : f32 to vector<16xf32>
      %swap3A_91 = arith.index_cast %scan3A_48 : i32 to index
      %swap3A_92 = arith.constant 96 : index
      %swap3A_93 = tpu.vector_load %arg5[%swap3A_91, %swap3A_92] {strides = array<i32>} : memref<128x128xf32, #tpu.memory_space<vmem>>, vector<1x16xf32>,
      %swap3A_94 = vector.shape_cast %swap3A_93 : vector<1x16xf32> to vector<16xf32>
      %swap3A_95 = vector.shape_cast %broadcast_in_dim3A_90 : vector<16xf32> to vector<1x16xf32>
      tpu.vector_store %arg5[%swap3A_91, %swap3A_92], %swap3A_95 {strides = array<i32>} : memref<128x128xf32, #tpu.memory_space<vmem>>, vector<1x16xf32>,
      %broadcast_in_dim3A_96 = arith.constant 0.000000e+00 : f32
      %broadcast_in_dim3A_97 = vector.broadcast %broadcast_in_dim3A_96 : f32 to vector<16xf32>
      %swap3A_98 = arith.index_cast %scan3A_48 : i32 to index
      %swap3A_99 = arith.constant 112 : index
      %swap3A_100 = tpu.vector_load %arg5[%swap3A_98, %swap3A_99] {strides = array<i32>} : memref<128x128xf32, #tpu.memory_space<vmem>>, vector<1x16xf32>,
      %swap3A_101 = vector.shape_cast %swap3A_100 : vector<1x16xf32> to vector<16xf32>
      %swap3A_102 = vector.shape_cast %broadcast_in_dim3A_97 : vector<16xf32> to vector<1x16xf32>
      tpu.vector_store %arg5[%swap3A_98, %swap3A_99], %swap3A_102 {strides = array<i32>} : memref<128x128xf32, #tpu.memory_space<vmem>>, vector<1x16xf32>,
    }
    %scan3A_5 = arith.constant 128 : i32
    %mul3A_6 = arith.constant 632 : i32
    %mul3A_7 = arith.muli %arg1, %mul3A_6 : i32
    %add3A_8 = arith.constant 0 : i32
    %add3A_9 = arith.addi %mul3A_7, %add3A_8 : i32
    "tpu.region"() ({
      %run_scoped3A = tpu.sem_alloc : memref<!tpu.dma_semaphore, #tpu.memory_space<semaphore_mem>>
      %dma_start3A = arith.constant 0 : i32
      %dma_start3A_48 = arith.constant 0 : i32
      %dma_start3A_49 = tpu.memref_slice %arg5[%dma_start3A, %dma_start3A_48] : memref<128x128xf32, #tpu.memory_space<vmem>> -> memref<128x128xf32, #tpu.memory_space<vmem>>
      %dma_start3A_50 = arith.constant 0 : i32
      %dma_start3A_51 = tpu.memref_slice %arg6[%add3A_9, %dma_start3A_50] : memref<10112x128xf32, #tpu.memory_space<vmem_shared>> -> memref<128x128xf32, #tpu.memory_space<vmem_shared>>
      %dma_start3A_52 = arith.constant 0 : i32
      %dma_start3A_53 = tpu.memref_slice %arg6[%add3A_9, %dma_start3A_52] : memref<10112x128xf32, #tpu.memory_space<vmem_shared>> -> memref<128x128xf32, #tpu.memory_space<vmem_shared>>
      %dma_start3A_54 = arith.constant 0 : i32
      %dma_start3A_55 = arith.constant 0 : i32
      %dma_start3A_56 = tpu.memref_slice %arg5[%dma_start3A_54, %dma_start3A_55] : memref<128x128xf32, #tpu.memory_space<vmem>> -> memref<128x128xf32, #tpu.memory_space<vmem>>
      tpu.enqueue_dma source(%dma_start3A_56 : memref<128x128xf32, #tpu.memory_space<vmem>>) target(%dma_start3A_53 : memref<128x128xf32, #tpu.memory_space<vmem_shared>>) target_semaphore(%run_scoped3A : memref<!tpu.dma_semaphore, #tpu.memory_space<semaphore_mem>>)
      %dma_wait3A = arith.constant 0 : i32
      %dma_wait3A_57 = arith.constant 0 : i32
      %dma_wait3A_58 = tpu.memref_slice %arg5[%dma_wait3A, %dma_wait3A_57] : memref<128x128xf32, #tpu.memory_space<vmem>> -> memref<128x128xf32, #tpu.memory_space<vmem>>
      %dma_wait3A_59 = arith.constant 0 : i32
      %dma_wait3A_60 = tpu.memref_slice %arg6[%add3A_9, %dma_wait3A_59] : memref<10112x128xf32, #tpu.memory_space<vmem_shared>> -> memref<128x128xf32, #tpu.memory_space<vmem_shared>>
      %dma_wait3A_61 = arith.constant 0 : i32
      %dma_wait3A_62 = tpu.memref_slice %arg6[%add3A_9, %dma_wait3A_61] : memref<10112x128xf32, #tpu.memory_space<vmem_shared>> -> memref<128x128xf32, #tpu.memory_space<vmem_shared>>
      %dma_wait3A_63 = arith.constant 0 : i32
      %dma_wait3A_64 = arith.constant 0 : i32
      %dma_wait3A_65 = tpu.memref_slice %arg5[%dma_wait3A_63, %dma_wait3A_64] : memref<128x128xf32, #tpu.memory_space<vmem>> -> memref<128x128xf32, #tpu.memory_space<vmem>>
      tpu.wait_dma2 semaphore(%run_scoped3A : memref<!tpu.dma_semaphore, #tpu.memory_space<semaphore_mem>>) src(%dma_wait3A_65 : memref<128x128xf32, #tpu.memory_space<vmem>>) dst(%dma_wait3A_62 : memref<128x128xf32, #tpu.memory_space<vmem_shared>>)
      tpu.yield
    }) : () -> ()
    %mul3A_10 = arith.constant 632 : i32
    %mul3A_11 = arith.muli %arg1, %mul3A_10 : i32
    %add3A_12 = arith.constant 128 : i32
    %add3A_13 = arith.addi %mul3A_11, %add3A_12 : i32
    "tpu.region"() ({
      %run_scoped3A = tpu.sem_alloc : memref<!tpu.dma_semaphore, #tpu.memory_space<semaphore_mem>>
      %dma_start3A = arith.constant 0 : i32
      %dma_start3A_48 = arith.constant 0 : i32
      %dma_start3A_49 = tpu.memref_slice %arg5[%dma_start3A, %dma_start3A_48] : memref<128x128xf32, #tpu.memory_space<vmem>> -> memref<128x128xf32, #tpu.memory_space<vmem>>
      %dma_start3A_50 = arith.constant 0 : i32
      %dma_start3A_51 = tpu.memref_slice %arg6[%add3A_13, %dma_start3A_50] : memref<10112x128xf32, #tpu.memory_space<vmem_shared>> -> memref<128x128xf32, #tpu.memory_space<vmem_shared>>
      %dma_start3A_52 = arith.constant 0 : i32
      %dma_start3A_53 = tpu.memref_slice %arg6[%add3A_13, %dma_start3A_52] : memref<10112x128xf32, #tpu.memory_space<vmem_shared>> -> memref<128x128xf32, #tpu.memory_space<vmem_shared>>
      %dma_start3A_54 = arith.constant 0 : i32
      %dma_start3A_55 = arith.constant 0 : i32
      %dma_start3A_56 = tpu.memref_slice %arg5[%dma_start3A_54, %dma_start3A_55] : memref<128x128xf32, #tpu.memory_space<vmem>> -> memref<128x128xf32, #tpu.memory_space<vmem>>
      tpu.enqueue_dma source(%dma_start3A_56 : memref<128x128xf32, #tpu.memory_space<vmem>>) target(%dma_start3A_53 : memref<128x128xf32, #tpu.memory_space<vmem_shared>>) target_semaphore(%run_scoped3A : memref<!tpu.dma_semaphore, #tpu.memory_space<semaphore_mem>>)
      %dma_wait3A = arith.constant 0 : i32
      %dma_wait3A_57 = arith.constant 0 : i32
      %dma_wait3A_58 = tpu.memref_slice %arg5[%dma_wait3A, %dma_wait3A_57] : memref<128x128xf32, #tpu.memory_space<vmem>> -> memref<128x128xf32, #tpu.memory_space<vmem>>
      %dma_wait3A_59 = arith.constant 0 : i32
      %dma_wait3A_60 = tpu.memref_slice %arg6[%add3A_13, %dma_wait3A_59] : memref<10112x128xf32, #tpu.memory_space<vmem_shared>> -> memref<128x128xf32, #tpu.memory_space<vmem_shared>>
      %dma_wait3A_61 = arith.constant 0 : i32
      %dma_wait3A_62 = tpu.memref_slice %arg6[%add3A_13, %dma_wait3A_61] : memref<10112x128xf32, #tpu.memory_space<vmem_shared>> -> memref<128x128xf32, #tpu.memory_space<vmem_shared>>
      %dma_wait3A_63 = arith.constant 0 : i32
      %dma_wait3A_64 = arith.constant 0 : i32
      %dma_wait3A_65 = tpu.memref_slice %arg5[%dma_wait3A_63, %dma_wait3A_64] : memref<128x128xf32, #tpu.memory_space<vmem>> -> memref<128x128xf32, #tpu.memory_space<vmem>>
      tpu.wait_dma2 semaphore(%run_scoped3A : memref<!tpu.dma_semaphore, #tpu.memory_space<semaphore_mem>>) src(%dma_wait3A_65 : memref<128x128xf32, #tpu.memory_space<vmem>>) dst(%dma_wait3A_62 : memref<128x128xf32, #tpu.memory_space<vmem_shared>>)
      tpu.yield
    }) : () -> ()
    %mul3A_14 = arith.constant 632 : i32
    %mul3A_15 = arith.muli %arg1, %mul3A_14 : i32
    %add3A_16 = arith.constant 256 : i32
    %add3A_17 = arith.addi %mul3A_15, %add3A_16 : i32
    "tpu.region"() ({
      %run_scoped3A = tpu.sem_alloc : memref<!tpu.dma_semaphore, #tpu.memory_space<semaphore_mem>>
      %dma_start3A = arith.constant 0 : i32
      %dma_start3A_48 = arith.constant 0 : i32
      %dma_start3A_49 = tpu.memref_slice %arg5[%dma_start3A, %dma_start3A_48] : memref<128x128xf32, #tpu.memory_space<vmem>> -> memref<128x128xf32, #tpu.memory_space<vmem>>
      %dma_start3A_50 = arith.constant 0 : i32
      %dma_start3A_51 = tpu.memref_slice %arg6[%add3A_17, %dma_start3A_50] : memref<10112x128xf32, #tpu.memory_space<vmem_shared>> -> memref<128x128xf32, #tpu.memory_space<vmem_shared>>
      %dma_start3A_52 = arith.constant 0 : i32
      %dma_start3A_53 = tpu.memref_slice %arg6[%add3A_17, %dma_start3A_52] : memref<10112x128xf32, #tpu.memory_space<vmem_shared>> -> memref<128x128xf32, #tpu.memory_space<vmem_shared>>
      %dma_start3A_54 = arith.constant 0 : i32
      %dma_start3A_55 = arith.constant 0 : i32
      %dma_start3A_56 = tpu.memref_slice %arg5[%dma_start3A_54, %dma_start3A_55] : memref<128x128xf32, #tpu.memory_space<vmem>> -> memref<128x128xf32, #tpu.memory_space<vmem>>
      tpu.enqueue_dma source(%dma_start3A_56 : memref<128x128xf32, #tpu.memory_space<vmem>>) target(%dma_start3A_53 : memref<128x128xf32, #tpu.memory_space<vmem_shared>>) target_semaphore(%run_scoped3A : memref<!tpu.dma_semaphore, #tpu.memory_space<semaphore_mem>>)
      %dma_wait3A = arith.constant 0 : i32
      %dma_wait3A_57 = arith.constant 0 : i32
      %dma_wait3A_58 = tpu.memref_slice %arg5[%dma_wait3A, %dma_wait3A_57] : memref<128x128xf32, #tpu.memory_space<vmem>> -> memref<128x128xf32, #tpu.memory_space<vmem>>
      %dma_wait3A_59 = arith.constant 0 : i32
      %dma_wait3A_60 = tpu.memref_slice %arg6[%add3A_17, %dma_wait3A_59] : memref<10112x128xf32, #tpu.memory_space<vmem_shared>> -> memref<128x128xf32, #tpu.memory_space<vmem_shared>>
      %dma_wait3A_61 = arith.constant 0 : i32
      %dma_wait3A_62 = tpu.memref_slice %arg6[%add3A_17, %dma_wait3A_61] : memref<10112x128xf32, #tpu.memory_space<vmem_shared>> -> memref<128x128xf32, #tpu.memory_space<vmem_shared>>
      %dma_wait3A_63 = arith.constant 0 : i32
      %dma_wait3A_64 = arith.constant 0 : i32
      %dma_wait3A_65 = tpu.memref_slice %arg5[%dma_wait3A_63, %dma_wait3A_64] : memref<128x128xf32, #tpu.memory_space<vmem>> -> memref<128x128xf32, #tpu.memory_space<vmem>>
      tpu.wait_dma2 semaphore(%run_scoped3A : memref<!tpu.dma_semaphore, #tpu.memory_space<semaphore_mem>>) src(%dma_wait3A_65 : memref<128x128xf32, #tpu.memory_space<vmem>>) dst(%dma_wait3A_62 : memref<128x128xf32, #tpu.memory_space<vmem_shared>>)
      tpu.yield
    }) : () -> ()
    %mul3A_18 = arith.constant 632 : i32
    %mul3A_19 = arith.muli %arg1, %mul3A_18 : i32
    %add3A_20 = arith.constant 384 : i32
    %add3A_21 = arith.addi %mul3A_19, %add3A_20 : i32
    "tpu.region"() ({
      %run_scoped3A = tpu.sem_alloc : memref<!tpu.dma_semaphore, #tpu.memory_space<semaphore_mem>>
      %dma_start3A = arith.constant 0 : i32
      %dma_start3A_48 = arith.constant 0 : i32
      %dma_start3A_49 = tpu.memref_slice %arg5[%dma_start3A, %dma_start3A_48] : memref<128x128xf32, #tpu.memory_space<vmem>> -> memref<128x128xf32, #tpu.memory_space<vmem>>
      %dma_start3A_50 = arith.constant 0 : i32
      %dma_start3A_51 = tpu.memref_slice %arg6[%add3A_21, %dma_start3A_50] : memref<10112x128xf32, #tpu.memory_space<vmem_shared>> -> memref<128x128xf32, #tpu.memory_space<vmem_shared>>
      %dma_start3A_52 = arith.constant 0 : i32
      %dma_start3A_53 = tpu.memref_slice %arg6[%add3A_21, %dma_start3A_52] : memref<10112x128xf32, #tpu.memory_space<vmem_shared>> -> memref<128x128xf32, #tpu.memory_space<vmem_shared>>
      %dma_start3A_54 = arith.constant 0 : i32
      %dma_start3A_55 = arith.constant 0 : i32
      %dma_start3A_56 = tpu.memref_slice %arg5[%dma_start3A_54, %dma_start3A_55] : memref<128x128xf32, #tpu.memory_space<vmem>> -> memref<128x128xf32, #tpu.memory_space<vmem>>
      tpu.enqueue_dma source(%dma_start3A_56 : memref<128x128xf32, #tpu.memory_space<vmem>>) target(%dma_start3A_53 : memref<128x128xf32, #tpu.memory_space<vmem_shared>>) target_semaphore(%run_scoped3A : memref<!tpu.dma_semaphore, #tpu.memory_space<semaphore_mem>>)
      %dma_wait3A = arith.constant 0 : i32
      %dma_wait3A_57 = arith.constant 0 : i32
      %dma_wait3A_58 = tpu.memref_slice %arg5[%dma_wait3A, %dma_wait3A_57] : memref<128x128xf32, #tpu.memory_space<vmem>> -> memref<128x128xf32, #tpu.memory_space<vmem>>
      %dma_wait3A_59 = arith.constant 0 : i32
      %dma_wait3A_60 = tpu.memref_slice %arg6[%add3A_21, %dma_wait3A_59] : memref<10112x128xf32, #tpu.memory_space<vmem_shared>> -> memref<128x128xf32, #tpu.memory_space<vmem_shared>>
      %dma_wait3A_61 = arith.constant 0 : i32
      %dma_wait3A_62 = tpu.memref_slice %arg6[%add3A_21, %dma_wait3A_61] : memref<10112x128xf32, #tpu.memory_space<vmem_shared>> -> memref<128x128xf32, #tpu.memory_space<vmem_shared>>
      %dma_wait3A_63 = arith.constant 0 : i32
      %dma_wait3A_64 = arith.constant 0 : i32
      %dma_wait3A_65 = tpu.memref_slice %arg5[%dma_wait3A_63, %dma_wait3A_64] : memref<128x128xf32, #tpu.memory_space<vmem>> -> memref<128x128xf32, #tpu.memory_space<vmem>>
      tpu.wait_dma2 semaphore(%run_scoped3A : memref<!tpu.dma_semaphore, #tpu.memory_space<semaphore_mem>>) src(%dma_wait3A_65 : memref<128x128xf32, #tpu.memory_space<vmem>>) dst(%dma_wait3A_62 : memref<128x128xf32, #tpu.memory_space<vmem_shared>>)
      tpu.yield
    }) : () -> ()
    %mul3A_22 = arith.constant 632 : i32
    %mul3A_23 = arith.muli %arg1, %mul3A_22 : i32
    %add3A_24 = arith.constant 512 : i32
    %add3A_25 = arith.addi %mul3A_23, %add3A_24 : i32
    "tpu.region"() ({
      %run_scoped3A = tpu.sem_alloc : memref<!tpu.dma_semaphore, #tpu.memory_space<semaphore_mem>>
      %dma_start3A = arith.constant 0 : i32
      %dma_start3A_48 = arith.constant 0 : i32
      %dma_start3A_49 = tpu.memref_slice %arg5[%dma_start3A, %dma_start3A_48] : memref<128x128xf32, #tpu.memory_space<vmem>> -> memref<120x128xf32, #tpu.memory_space<vmem>>
      %dma_start3A_50 = arith.constant 0 : i32
      %dma_start3A_51 = tpu.memref_slice %arg6[%add3A_25, %dma_start3A_50] : memref<10112x128xf32, #tpu.memory_space<vmem_shared>> -> memref<120x128xf32, #tpu.memory_space<vmem_shared>>
      %dma_start3A_52 = arith.constant 0 : i32
      %dma_start3A_53 = tpu.memref_slice %arg6[%add3A_25, %dma_start3A_52] : memref<10112x128xf32, #tpu.memory_space<vmem_shared>> -> memref<120x128xf32, #tpu.memory_space<vmem_shared>>
      %dma_start3A_54 = arith.constant 0 : i32
      %dma_start3A_55 = arith.constant 0 : i32
      %dma_start3A_56 = tpu.memref_slice %arg5[%dma_start3A_54, %dma_start3A_55] : memref<128x128xf32, #tpu.memory_space<vmem>> -> memref<120x128xf32, #tpu.memory_space<vmem>>
      tpu.enqueue_dma source(%dma_start3A_56 : memref<120x128xf32, #tpu.memory_space<vmem>>) target(%dma_start3A_53 : memref<120x128xf32, #tpu.memory_space<vmem_shared>>) target_semaphore(%run_scoped3A : memref<!tpu.dma_semaphore, #tpu.memory_space<semaphore_mem>>)
      %dma_wait3A = arith.constant 0 : i32
      %dma_wait3A_57 = arith.constant 0 : i32
      %dma_wait3A_58 = tpu.memref_slice %arg5[%dma_wait3A, %dma_wait3A_57] : memref<128x128xf32, #tpu.memory_space<vmem>> -> memref<120x128xf32, #tpu.memory_space<vmem>>
      %dma_wait3A_59 = arith.constant 0 : i32
      %dma_wait3A_60 = tpu.memref_slice %arg6[%add3A_25, %dma_wait3A_59] : memref<10112x128xf32, #tpu.memory_space<vmem_shared>> -> memref<120x128xf32, #tpu.memory_space<vmem_shared>>
      %dma_wait3A_61 = arith.constant 0 : i32
      %dma_wait3A_62 = tpu.memref_slice %arg6[%add3A_25, %dma_wait3A_61] : memref<10112x128xf32, #tpu.memory_space<vmem_shared>> -> memref<120x128xf32, #tpu.memory_space<vmem_shared>>
      %dma_wait3A_63 = arith.constant 0 : i32
      %dma_wait3A_64 = arith.constant 0 : i32
      %dma_wait3A_65 = tpu.memref_slice %arg5[%dma_wait3A_63, %dma_wait3A_64] : memref<128x128xf32, #tpu.memory_space<vmem>> -> memref<120x128xf32, #tpu.memory_space<vmem>>
      tpu.wait_dma2 semaphore(%run_scoped3A : memref<!tpu.dma_semaphore, #tpu.memory_space<semaphore_mem>>) src(%dma_wait3A_65 : memref<120x128xf32, #tpu.memory_space<vmem>>) dst(%dma_wait3A_62 : memref<120x128xf32, #tpu.memory_space<vmem_shared>>)
      tpu.yield
    }) : () -> ()
    %barrier3A = arith.constant 0 : index
    tpu.barrier barrier_id(%barrier3A)
    %scan3A_26 = arith.constant 0 : i32
    %scan3A_27 = arith.constant 0 : i32
    %scan3A_28 = arith.constant 128 : i32
    %scan3A_29 = arith.addi %scan3A_27, %scan3A_28 : i32
    %scan3A_30 = arith.constant 1 : i32
    scf.for %scan3A_48 = %scan3A_27 to %scan3A_29 step %scan3A_30  : i32 {
      %broadcast_in_dim3A = arith.constant 1.000000e+00 : f32
      %broadcast_in_dim3A_49 = vector.broadcast %broadcast_in_dim3A : f32 to vector<16xf32>
      %swap3A = arith.index_cast %scan3A_48 : i32 to index
      %swap3A_50 = arith.constant 0 : index
      %swap3A_51 = tpu.vector_load %arg5[%swap3A, %swap3A_50] {strides = array<i32>} : memref<128x128xf32, #tpu.memory_space<vmem>>, vector<1x16xf32>,
      %swap3A_52 = vector.shape_cast %swap3A_51 : vector<1x16xf32> to vector<16xf32>
      %swap3A_53 = vector.shape_cast %broadcast_in_dim3A_49 : vector<16xf32> to vector<1x16xf32>
      tpu.vector_store %arg5[%swap3A, %swap3A_50], %swap3A_53 {strides = array<i32>} : memref<128x128xf32, #tpu.memory_space<vmem>>, vector<1x16xf32>,
      %broadcast_in_dim3A_54 = arith.constant 1.000000e+00 : f32
      %broadcast_in_dim3A_55 = vector.broadcast %broadcast_in_dim3A_54 : f32 to vector<16xf32>
      %swap3A_56 = arith.index_cast %scan3A_48 : i32 to index
      %swap3A_57 = arith.constant 16 : index
      %swap3A_58 = tpu.vector_load %arg5[%swap3A_56, %swap3A_57] {strides = array<i32>} : memref<128x128xf32, #tpu.memory_space<vmem>>, vector<1x16xf32>,
      %swap3A_59 = vector.shape_cast %swap3A_58 : vector<1x16xf32> to vector<16xf32>
      %swap3A_60 = vector.shape_cast %broadcast_in_dim3A_55 : vector<16xf32> to vector<1x16xf32>
      tpu.vector_store %arg5[%swap3A_56, %swap3A_57], %swap3A_60 {strides = array<i32>} : memref<128x128xf32, #tpu.memory_space<vmem>>, vector<1x16xf32>,
      %broadcast_in_dim3A_61 = arith.constant 1.000000e+00 : f32
      %broadcast_in_dim3A_62 = vector.broadcast %broadcast_in_dim3A_61 : f32 to vector<16xf32>
      %swap3A_63 = arith.index_cast %scan3A_48 : i32 to index
      %swap3A_64 = arith.constant 32 : index
      %swap3A_65 = tpu.vector_load %arg5[%swap3A_63, %swap3A_64] {strides = array<i32>} : memref<128x128xf32, #tpu.memory_space<vmem>>, vector<1x16xf32>,
      %swap3A_66 = vector.shape_cast %swap3A_65 : vector<1x16xf32> to vector<16xf32>
      %swap3A_67 = vector.shape_cast %broadcast_in_dim3A_62 : vector<16xf32> to vector<1x16xf32>
      tpu.vector_store %arg5[%swap3A_63, %swap3A_64], %swap3A_67 {strides = array<i32>} : memref<128x128xf32, #tpu.memory_space<vmem>>, vector<1x16xf32>,
      %broadcast_in_dim3A_68 = arith.constant 1.000000e+00 : f32
      %broadcast_in_dim3A_69 = vector.broadcast %broadcast_in_dim3A_68 : f32 to vector<16xf32>
      %swap3A_70 = arith.index_cast %scan3A_48 : i32 to index
      %swap3A_71 = arith.constant 48 : index
      %swap3A_72 = tpu.vector_load %arg5[%swap3A_70, %swap3A_71] {strides = array<i32>} : memref<128x128xf32, #tpu.memory_space<vmem>>, vector<1x16xf32>,
      %swap3A_73 = vector.shape_cast %swap3A_72 : vector<1x16xf32> to vector<16xf32>
      %swap3A_74 = vector.shape_cast %broadcast_in_dim3A_69 : vector<16xf32> to vector<1x16xf32>
      tpu.vector_store %arg5[%swap3A_70, %swap3A_71], %swap3A_74 {strides = array<i32>} : memref<128x128xf32, #tpu.memory_space<vmem>>, vector<1x16xf32>,
      %broadcast_in_dim3A_75 = arith.constant 1.000000e+00 : f32
      %broadcast_in_dim3A_76 = vector.broadcast %broadcast_in_dim3A_75 : f32 to vector<16xf32>
      %swap3A_77 = arith.index_cast %scan3A_48 : i32 to index
      %swap3A_78 = arith.constant 64 : index
      %swap3A_79 = tpu.vector_load %arg5[%swap3A_77, %swap3A_78] {strides = array<i32>} : memref<128x128xf32, #tpu.memory_space<vmem>>, vector<1x16xf32>,
      %swap3A_80 = vector.shape_cast %swap3A_79 : vector<1x16xf32> to vector<16xf32>
      %swap3A_81 = vector.shape_cast %broadcast_in_dim3A_76 : vector<16xf32> to vector<1x16xf32>
      tpu.vector_store %arg5[%swap3A_77, %swap3A_78], %swap3A_81 {strides = array<i32>} : memref<128x128xf32, #tpu.memory_space<vmem>>, vector<1x16xf32>,
      %broadcast_in_dim3A_82 = arith.constant 1.000000e+00 : f32
      %broadcast_in_dim3A_83 = vector.broadcast %broadcast_in_dim3A_82 : f32 to vector<16xf32>
      %swap3A_84 = arith.index_cast %scan3A_48 : i32 to index
      %swap3A_85 = arith.constant 80 : index
      %swap3A_86 = tpu.vector_load %arg5[%swap3A_84, %swap3A_85] {strides = array<i32>} : memref<128x128xf32, #tpu.memory_space<vmem>>, vector<1x16xf32>,
      %swap3A_87 = vector.shape_cast %swap3A_86 : vector<1x16xf32> to vector<16xf32>
      %swap3A_88 = vector.shape_cast %broadcast_in_dim3A_83 : vector<16xf32> to vector<1x16xf32>
      tpu.vector_store %arg5[%swap3A_84, %swap3A_85], %swap3A_88 {strides = array<i32>} : memref<128x128xf32, #tpu.memory_space<vmem>>, vector<1x16xf32>,
      %broadcast_in_dim3A_89 = arith.constant 1.000000e+00 : f32
      %broadcast_in_dim3A_90 = vector.broadcast %broadcast_in_dim3A_89 : f32 to vector<16xf32>
      %swap3A_91 = arith.index_cast %scan3A_48 : i32 to index
      %swap3A_92 = arith.constant 96 : index
      %swap3A_93 = tpu.vector_load %arg5[%swap3A_91, %swap3A_92] {strides = array<i32>} : memref<128x128xf32, #tpu.memory_space<vmem>>, vector<1x16xf32>,
      %swap3A_94 = vector.shape_cast %swap3A_93 : vector<1x16xf32> to vector<16xf32>
      %swap3A_95 = vector.shape_cast %broadcast_in_dim3A_90 : vector<16xf32> to vector<1x16xf32>
      tpu.vector_store %arg5[%swap3A_91, %swap3A_92], %swap3A_95 {strides = array<i32>} : memref<128x128xf32, #tpu.memory_space<vmem>>, vector<1x16xf32>,
      %broadcast_in_dim3A_96 = arith.constant 1.000000e+00 : f32
      %broadcast_in_dim3A_97 = vector.broadcast %broadcast_in_dim3A_96 : f32 to vector<16xf32>
      %swap3A_98 = arith.index_cast %scan3A_48 : i32 to index
      %swap3A_99 = arith.constant 112 : index
      %swap3A_100 = tpu.vector_load %arg5[%swap3A_98, %swap3A_99] {strides = array<i32>} : memref<128x128xf32, #tpu.memory_space<vmem>>, vector<1x16xf32>,
      %swap3A_101 = vector.shape_cast %swap3A_100 : vector<1x16xf32> to vector<16xf32>
      %swap3A_102 = vector.shape_cast %broadcast_in_dim3A_97 : vector<16xf32> to vector<1x16xf32>
      tpu.vector_store %arg5[%swap3A_98, %swap3A_99], %swap3A_102 {strides = array<i32>} : memref<128x128xf32, #tpu.memory_space<vmem>>, vector<1x16xf32>,
    }
    %scan3A_31 = arith.constant 128 : i32
    %mul3A_32 = arith.constant 10112 : i32
    %mul3A_33 = arith.muli %add3A, %mul3A_32 : i32
    %scan3A_34 = arith.constant 0 : i32
    %scan3A_35 = arith.constant 0 : i32
    %scan3A_36 = arith.constant 79 : i32
    %scan3A_37 = arith.addi %scan3A_35, %scan3A_36 : i32
    %scan3A_38 = arith.constant 1 : i32
    scf.for %scan3A_48 = %scan3A_35 to %scan3A_37 step %scan3A_38  : i32 {
      %mul3A_49 = arith.constant 128 : i32
      %mul3A_50 = arith.muli %scan3A_48, %mul3A_49 : i32
      %add3A_51 = arith.addi %mul3A_33, %mul3A_50 : i32
      "tpu.region"() ({
        %run_scoped3A = tpu.sem_alloc : memref<!tpu.dma_semaphore, #tpu.memory_space<semaphore_mem>>
        %dma_start3A = tpu.memref_slice %arg2[%add3A_51] : memref<323584xi32, #tpu.memory_space<hbm>> -> memref<128xi32, #tpu.memory_space<hbm>>
        %dma_start3A_52 = tpu.memref_slice %arg2[%add3A_51] : memref<323584xi32, #tpu.memory_space<hbm>> -> memref<128xi32, #tpu.memory_space<hbm>>
        tpu.enqueue_dma source(%dma_start3A_52 : memref<128xi32, #tpu.memory_space<hbm>>) target(%arg4 : memref<128xi32, #tpu.memory_space<vmem>>) target_semaphore(%run_scoped3A : memref<!tpu.dma_semaphore, #tpu.memory_space<semaphore_mem>>)
        %dma_wait3A = tpu.memref_slice %arg2[%add3A_51] : memref<323584xi32, #tpu.memory_space<hbm>> -> memref<128xi32, #tpu.memory_space<hbm>>
        %dma_wait3A_53 = tpu.memref_slice %arg2[%add3A_51] : memref<323584xi32, #tpu.memory_space<hbm>> -> memref<128xi32, #tpu.memory_space<hbm>>
        tpu.wait_dma2 semaphore(%run_scoped3A : memref<!tpu.dma_semaphore, #tpu.memory_space<semaphore_mem>>) src(%dma_wait3A_53 : memref<128xi32, #tpu.memory_space<hbm>>) dst(%arg4 : memref<128xi32, #tpu.memory_space<vmem>>)
        tpu.yield
      }) : () -> ()
      "tpu.region"() ({
        %run_scoped3A = tpu.sem_alloc : memref<!tpu.dma_semaphore, #tpu.memory_space<semaphore_mem>>
        %dma_start3A = arith.constant 0 : i32
        %dma_start3A_52 = arith.constant 0 : i32
        %dma_start3A_53 = tpu.memref_slice %arg6[%dma_start3A, %dma_start3A_52] : memref<10112x128xf32, #tpu.memory_space<vmem_shared>> -> memref<10112x128xf32, #tpu.memory_space<vmem_shared>>
        tpu.enqueue_indirect_dma source(%arg5 : memref<128x128xf32, #tpu.memory_space<vmem>>) target(%dma_start3A_53 : memref<10112x128xf32, #tpu.memory_space<vmem_shared>>) offsets(%arg4 : memref<128xi32, #tpu.memory_space<vmem>>) semaphore(%run_scoped3A : memref<!tpu.dma_semaphore, #tpu.memory_space<semaphore_mem>>) {add = true}
        %dma_wait3A = arith.constant 0 : i32
        %dma_wait3A_54 = arith.constant 0 : i32
        %dma_wait3A_55 = tpu.memref_slice %arg6[%dma_wait3A, %dma_wait3A_54] : memref<10112x128xf32, #tpu.memory_space<vmem_shared>> -> memref<10112x128xf32, #tpu.memory_space<vmem_shared>>
        tpu.wait_indirect_dma semaphore(%run_scoped3A : memref<!tpu.dma_semaphore, #tpu.memory_space<semaphore_mem>>) src(%arg5 : memref<128x128xf32, #tpu.memory_space<vmem>>) dst(%dma_wait3A_55 : memref<10112x128xf32, #tpu.memory_space<vmem_shared>>)
        tpu.yield
      }) : () -> ()
    }
    %scan3A_39 = arith.constant 79 : i32
    %barrier3A_40 = arith.constant 0 : index
    tpu.barrier barrier_id(%barrier3A_40)
    %mul3A_41 = arith.constant 632 : i32
    %mul3A_42 = arith.muli %arg1, %mul3A_41 : i32
    %mul3A_43 = arith.constant 10112 : i32
    %mul3A_44 = arith.muli %arg0, %mul3A_43 : i32
    %mul3A_45 = arith.constant 632 : i32
    %mul3A_46 = arith.muli %arg1, %mul3A_45 : i32
    %add3A_47 = arith.addi %mul3A_44, %mul3A_46 : i32
    "tpu.region"() ({
      %run_scoped3A = tpu.sem_alloc : memref<!tpu.dma_semaphore, #tpu.memory_space<semaphore_mem>>
      %dma_start3A = arith.constant 0 : i32
      %dma_start3A_48 = tpu.memref_slice %arg3[%add3A_47, %dma_start3A] : memref<20224x128xf32, #tpu.memory_space<hbm>> -> memref<632x128xf32, #tpu.memory_space<hbm>>
      %dma_start3A_49 = arith.constant 0 : i32
      %dma_start3A_50 = tpu.memref_slice %arg6[%mul3A_42, %dma_start3A_49] : memref<10112x128xf32, #tpu.memory_space<vmem_shared>> -> memref<632x128xf32, #tpu.memory_space<vmem_shared>>
      tpu.enqueue_dma source(%dma_start3A_50 : memref<632x128xf32, #tpu.memory_space<vmem_shared>>) target(%dma_start3A_48 : memref<632x128xf32, #tpu.memory_space<hbm>>) target_semaphore(%run_scoped3A : memref<!tpu.dma_semaphore, #tpu.memory_space<semaphore_mem>>)
      %dma_wait3A = arith.constant 0 : i32
      %dma_wait3A_51 = tpu.memref_slice %arg3[%add3A_47, %dma_wait3A] : memref<20224x128xf32, #tpu.memory_space<hbm>> -> memref<632x128xf32, #tpu.memory_space<hbm>>
      %dma_wait3A_52 = arith.constant 0 : i32
      %dma_wait3A_53 = tpu.memref_slice %arg6[%mul3A_42, %dma_wait3A_52] : memref<10112x128xf32, #tpu.memory_space<vmem_shared>> -> memref<632x128xf32, #tpu.memory_space<vmem_shared>>
      tpu.wait_dma2 semaphore(%run_scoped3A : memref<!tpu.dma_semaphore, #tpu.memory_space<semaphore_mem>>) src(%dma_wait3A_53 : memref<632x128xf32, #tpu.memory_space<vmem_shared>>) dst(%dma_wait3A_51 : memref<632x128xf32, #tpu.memory_space<hbm>>)
      tpu.yield
    }) : () -> ()
    return
  }
}

#map = affine_map<(d0, d1) -> (0, 0)>
#map1 = affine_map<(d0, d1) -> (0, 0, 0)>
module attributes {stable_mosaic.version = 14 : i64} {
  func.func @body(%arg0: i32, %arg1: i32, %arg2: memref<10112x128xf32, #tpu.memory_space<hbm>>, %arg3: memref<32x79x128xi32, #tpu.memory_space<hbm>>, %arg4: memref<32x79x128xi32, #tpu.memory_space<hbm>>, %arg5: memref<20224x128xf32, #tpu.memory_space<hbm>>, %arg6: memref<79x128xi32, #tpu.memory_space<vmem>>, %arg7: memref<79x128xi32, #tpu.memory_space<vmem>>, %arg8: memref<128x128xf32, #tpu.memory_space<vmem>>, %arg9: memref<10112x128xf32, #tpu.memory_space<vmem_shared>>, %arg10: memref<!tpu.dma_semaphore, #tpu.memory_space<semaphore_mem>>) attributes {dimension_semantics = [#tpu.dimension_semantics<core_parallel>, #tpu.dimension_semantics<subcore_parallel>], iteration_bounds = array<i64: 2, 16>, scalar_prefetch = 0 : i64, scratch_operands = 5 : i64, tpu.core_type = #tpu.core_type<sc_vector_subcore>, window_params = [{transform_indices = #map}, {transform_indices = #map1}, {transform_indices = #map1}, {transform_indices = #map}]} {
    %mul3A = arith.constant 2 : i32
    %mul3A_0 = arith.muli %arg1, %mul3A : i32
    %add3A = arith.addi %mul3A_0, %arg0 : i32
    %scan3A = arith.constant 0 : i32
    %scan3A_1 = arith.constant 0 : i32
    %scan3A_2 = arith.constant 128 : i32
    %scan3A_3 = arith.addi %scan3A_1, %scan3A_2 : i32
    %scan3A_4 = arith.constant 1 : i32
    scf.for %scan3A_40 = %scan3A_1 to %scan3A_3 step %scan3A_4  : i32 {
      %broadcast_in_dim3A = arith.constant 0.000000e+00 : f32
      %broadcast_in_dim3A_41 = vector.broadcast %broadcast_in_dim3A : f32 to vector<16xf32>
      %swap3A = arith.index_cast %scan3A_40 : i32 to index
      %swap3A_42 = arith.constant 0 : index
      %swap3A_43 = tpu.vector_load %arg8[%swap3A, %swap3A_42] {strides = array<i32>} : memref<128x128xf32, #tpu.memory_space<vmem>>, vector<1x16xf32>,
      %swap3A_44 = vector.shape_cast %swap3A_43 : vector<1x16xf32> to vector<16xf32>
      %swap3A_45 = vector.shape_cast %broadcast_in_dim3A_41 : vector<16xf32> to vector<1x16xf32>
      tpu.vector_store %arg8[%swap3A, %swap3A_42], %swap3A_45 {strides = array<i32>} : memref<128x128xf32, #tpu.memory_space<vmem>>, vector<1x16xf32>,
      %broadcast_in_dim3A_46 = arith.constant 0.000000e+00 : f32
      %broadcast_in_dim3A_47 = vector.broadcast %broadcast_in_dim3A_46 : f32 to vector<16xf32>
      %swap3A_48 = arith.index_cast %scan3A_40 : i32 to index
      %swap3A_49 = arith.constant 16 : index
      %swap3A_50 = tpu.vector_load %arg8[%swap3A_48, %swap3A_49] {strides = array<i32>} : memref<128x128xf32, #tpu.memory_space<vmem>>, vector<1x16xf32>,
      %swap3A_51 = vector.shape_cast %swap3A_50 : vector<1x16xf32> to vector<16xf32>
      %swap3A_52 = vector.shape_cast %broadcast_in_dim3A_47 : vector<16xf32> to vector<1x16xf32>
      tpu.vector_store %arg8[%swap3A_48, %swap3A_49], %swap3A_52 {strides = array<i32>} : memref<128x128xf32, #tpu.memory_space<vmem>>, vector<1x16xf32>,
      %broadcast_in_dim3A_53 = arith.constant 0.000000e+00 : f32
      %broadcast_in_dim3A_54 = vector.broadcast %broadcast_in_dim3A_53 : f32 to vector<16xf32>
      %swap3A_55 = arith.index_cast %scan3A_40 : i32 to index
      %swap3A_56 = arith.constant 32 : index
      %swap3A_57 = tpu.vector_load %arg8[%swap3A_55, %swap3A_56] {strides = array<i32>} : memref<128x128xf32, #tpu.memory_space<vmem>>, vector<1x16xf32>,
      %swap3A_58 = vector.shape_cast %swap3A_57 : vector<1x16xf32> to vector<16xf32>
      %swap3A_59 = vector.shape_cast %broadcast_in_dim3A_54 : vector<16xf32> to vector<1x16xf32>
      tpu.vector_store %arg8[%swap3A_55, %swap3A_56], %swap3A_59 {strides = array<i32>} : memref<128x128xf32, #tpu.memory_space<vmem>>, vector<1x16xf32>,
      %broadcast_in_dim3A_60 = arith.constant 0.000000e+00 : f32
      %broadcast_in_dim3A_61 = vector.broadcast %broadcast_in_dim3A_60 : f32 to vector<16xf32>
      %swap3A_62 = arith.index_cast %scan3A_40 : i32 to index
      %swap3A_63 = arith.constant 48 : index
      %swap3A_64 = tpu.vector_load %arg8[%swap3A_62, %swap3A_63] {strides = array<i32>} : memref<128x128xf32, #tpu.memory_space<vmem>>, vector<1x16xf32>,
      %swap3A_65 = vector.shape_cast %swap3A_64 : vector<1x16xf32> to vector<16xf32>
      %swap3A_66 = vector.shape_cast %broadcast_in_dim3A_61 : vector<16xf32> to vector<1x16xf32>
      tpu.vector_store %arg8[%swap3A_62, %swap3A_63], %swap3A_66 {strides = array<i32>} : memref<128x128xf32, #tpu.memory_space<vmem>>, vector<1x16xf32>,
      %broadcast_in_dim3A_67 = arith.constant 0.000000e+00 : f32
      %broadcast_in_dim3A_68 = vector.broadcast %broadcast_in_dim3A_67 : f32 to vector<16xf32>
      %swap3A_69 = arith.index_cast %scan3A_40 : i32 to index
      %swap3A_70 = arith.constant 64 : index
      %swap3A_71 = tpu.vector_load %arg8[%swap3A_69, %swap3A_70] {strides = array<i32>} : memref<128x128xf32, #tpu.memory_space<vmem>>, vector<1x16xf32>,
      %swap3A_72 = vector.shape_cast %swap3A_71 : vector<1x16xf32> to vector<16xf32>
      %swap3A_73 = vector.shape_cast %broadcast_in_dim3A_68 : vector<16xf32> to vector<1x16xf32>
      tpu.vector_store %arg8[%swap3A_69, %swap3A_70], %swap3A_73 {strides = array<i32>} : memref<128x128xf32, #tpu.memory_space<vmem>>, vector<1x16xf32>,
      %broadcast_in_dim3A_74 = arith.constant 0.000000e+00 : f32
      %broadcast_in_dim3A_75 = vector.broadcast %broadcast_in_dim3A_74 : f32 to vector<16xf32>
      %swap3A_76 = arith.index_cast %scan3A_40 : i32 to index
      %swap3A_77 = arith.constant 80 : index
      %swap3A_78 = tpu.vector_load %arg8[%swap3A_76, %swap3A_77] {strides = array<i32>} : memref<128x128xf32, #tpu.memory_space<vmem>>, vector<1x16xf32>,
      %swap3A_79 = vector.shape_cast %swap3A_78 : vector<1x16xf32> to vector<16xf32>
      %swap3A_80 = vector.shape_cast %broadcast_in_dim3A_75 : vector<16xf32> to vector<1x16xf32>
      tpu.vector_store %arg8[%swap3A_76, %swap3A_77], %swap3A_80 {strides = array<i32>} : memref<128x128xf32, #tpu.memory_space<vmem>>, vector<1x16xf32>,
      %broadcast_in_dim3A_81 = arith.constant 0.000000e+00 : f32
      %broadcast_in_dim3A_82 = vector.broadcast %broadcast_in_dim3A_81 : f32 to vector<16xf32>
      %swap3A_83 = arith.index_cast %scan3A_40 : i32 to index
      %swap3A_84 = arith.constant 96 : index
      %swap3A_85 = tpu.vector_load %arg8[%swap3A_83, %swap3A_84] {strides = array<i32>} : memref<128x128xf32, #tpu.memory_space<vmem>>, vector<1x16xf32>,
      %swap3A_86 = vector.shape_cast %swap3A_85 : vector<1x16xf32> to vector<16xf32>
      %swap3A_87 = vector.shape_cast %broadcast_in_dim3A_82 : vector<16xf32> to vector<1x16xf32>
      tpu.vector_store %arg8[%swap3A_83, %swap3A_84], %swap3A_87 {strides = array<i32>} : memref<128x128xf32, #tpu.memory_space<vmem>>, vector<1x16xf32>,
      %broadcast_in_dim3A_88 = arith.constant 0.000000e+00 : f32
      %broadcast_in_dim3A_89 = vector.broadcast %broadcast_in_dim3A_88 : f32 to vector<16xf32>
      %swap3A_90 = arith.index_cast %scan3A_40 : i32 to index
      %swap3A_91 = arith.constant 112 : index
      %swap3A_92 = tpu.vector_load %arg8[%swap3A_90, %swap3A_91] {strides = array<i32>} : memref<128x128xf32, #tpu.memory_space<vmem>>, vector<1x16xf32>,
      %swap3A_93 = vector.shape_cast %swap3A_92 : vector<1x16xf32> to vector<16xf32>
      %swap3A_94 = vector.shape_cast %broadcast_in_dim3A_89 : vector<16xf32> to vector<1x16xf32>
      tpu.vector_store %arg8[%swap3A_90, %swap3A_91], %swap3A_94 {strides = array<i32>} : memref<128x128xf32, #tpu.memory_space<vmem>>, vector<1x16xf32>,
    }
    %scan3A_5 = arith.constant 128 : i32
    %mul3A_6 = arith.constant 632 : i32
    %mul3A_7 = arith.muli %arg1, %mul3A_6 : i32
    %add3A_8 = arith.constant 0 : i32
    %add3A_9 = arith.addi %mul3A_7, %add3A_8 : i32
    "tpu.region"() ({
      %run_scoped3A = tpu.sem_alloc : memref<!tpu.dma_semaphore, #tpu.memory_space<semaphore_mem>>
      %dma_start3A = arith.constant 0 : i32
      %dma_start3A_40 = arith.constant 0 : i32
      %dma_start3A_41 = tpu.memref_slice %arg8[%dma_start3A, %dma_start3A_40] : memref<128x128xf32, #tpu.memory_space<vmem>> -> memref<128x128xf32, #tpu.memory_space<vmem>>
      %dma_start3A_42 = arith.constant 0 : i32
      %dma_start3A_43 = tpu.memref_slice %arg9[%add3A_9, %dma_start3A_42] : memref<10112x128xf32, #tpu.memory_space<vmem_shared>> -> memref<128x128xf32, #tpu.memory_space<vmem_shared>>
      %dma_start3A_44 = arith.constant 0 : i32
      %dma_start3A_45 = tpu.memref_slice %arg9[%add3A_9, %dma_start3A_44] : memref<10112x128xf32, #tpu.memory_space<vmem_shared>> -> memref<128x128xf32, #tpu.memory_space<vmem_shared>>
      %dma_start3A_46 = arith.constant 0 : i32
      %dma_start3A_47 = arith.constant 0 : i32
      %dma_start3A_48 = tpu.memref_slice %arg8[%dma_start3A_46, %dma_start3A_47] : memref<128x128xf32, #tpu.memory_space<vmem>> -> memref<128x128xf32, #tpu.memory_space<vmem>>
      tpu.enqueue_dma source(%dma_start3A_48 : memref<128x128xf32, #tpu.memory_space<vmem>>) target(%dma_start3A_45 : memref<128x128xf32, #tpu.memory_space<vmem_shared>>) target_semaphore(%run_scoped3A : memref<!tpu.dma_semaphore, #tpu.memory_space<semaphore_mem>>)
      %dma_wait3A = arith.constant 0 : i32
      %dma_wait3A_49 = arith.constant 0 : i32
      %dma_wait3A_50 = tpu.memref_slice %arg8[%dma_wait3A, %dma_wait3A_49] : memref<128x128xf32, #tpu.memory_space<vmem>> -> memref<128x128xf32, #tpu.memory_space<vmem>>
      %dma_wait3A_51 = arith.constant 0 : i32
      %dma_wait3A_52 = tpu.memref_slice %arg9[%add3A_9, %dma_wait3A_51] : memref<10112x128xf32, #tpu.memory_space<vmem_shared>> -> memref<128x128xf32, #tpu.memory_space<vmem_shared>>
      %dma_wait3A_53 = arith.constant 0 : i32
      %dma_wait3A_54 = tpu.memref_slice %arg9[%add3A_9, %dma_wait3A_53] : memref<10112x128xf32, #tpu.memory_space<vmem_shared>> -> memref<128x128xf32, #tpu.memory_space<vmem_shared>>
      %dma_wait3A_55 = arith.constant 0 : i32
      %dma_wait3A_56 = arith.constant 0 : i32
      %dma_wait3A_57 = tpu.memref_slice %arg8[%dma_wait3A_55, %dma_wait3A_56] : memref<128x128xf32, #tpu.memory_space<vmem>> -> memref<128x128xf32, #tpu.memory_space<vmem>>
      tpu.wait_dma2 semaphore(%run_scoped3A : memref<!tpu.dma_semaphore, #tpu.memory_space<semaphore_mem>>) src(%dma_wait3A_57 : memref<128x128xf32, #tpu.memory_space<vmem>>) dst(%dma_wait3A_54 : memref<128x128xf32, #tpu.memory_space<vmem_shared>>)
      tpu.yield
    }) : () -> ()
    %mul3A_10 = arith.constant 632 : i32
    %mul3A_11 = arith.muli %arg1, %mul3A_10 : i32
    %add3A_12 = arith.constant 128 : i32
    %add3A_13 = arith.addi %mul3A_11, %add3A_12 : i32
    "tpu.region"() ({
      %run_scoped3A = tpu.sem_alloc : memref<!tpu.dma_semaphore, #tpu.memory_space<semaphore_mem>>
      %dma_start3A = arith.constant 0 : i32
      %dma_start3A_40 = arith.constant 0 : i32
      %dma_start3A_41 = tpu.memref_slice %arg8[%dma_start3A, %dma_start3A_40] : memref<128x128xf32, #tpu.memory_space<vmem>> -> memref<128x128xf32, #tpu.memory_space<vmem>>
      %dma_start3A_42 = arith.constant 0 : i32
      %dma_start3A_43 = tpu.memref_slice %arg9[%add3A_13, %dma_start3A_42] : memref<10112x128xf32, #tpu.memory_space<vmem_shared>> -> memref<128x128xf32, #tpu.memory_space<vmem_shared>>
      %dma_start3A_44 = arith.constant 0 : i32
      %dma_start3A_45 = tpu.memref_slice %arg9[%add3A_13, %dma_start3A_44] : memref<10112x128xf32, #tpu.memory_space<vmem_shared>> -> memref<128x128xf32, #tpu.memory_space<vmem_shared>>
      %dma_start3A_46 = arith.constant 0 : i32
      %dma_start3A_47 = arith.constant 0 : i32
      %dma_start3A_48 = tpu.memref_slice %arg8[%dma_start3A_46, %dma_start3A_47] : memref<128x128xf32, #tpu.memory_space<vmem>> -> memref<128x128xf32, #tpu.memory_space<vmem>>
      tpu.enqueue_dma source(%dma_start3A_48 : memref<128x128xf32, #tpu.memory_space<vmem>>) target(%dma_start3A_45 : memref<128x128xf32, #tpu.memory_space<vmem_shared>>) target_semaphore(%run_scoped3A : memref<!tpu.dma_semaphore, #tpu.memory_space<semaphore_mem>>)
      %dma_wait3A = arith.constant 0 : i32
      %dma_wait3A_49 = arith.constant 0 : i32
      %dma_wait3A_50 = tpu.memref_slice %arg8[%dma_wait3A, %dma_wait3A_49] : memref<128x128xf32, #tpu.memory_space<vmem>> -> memref<128x128xf32, #tpu.memory_space<vmem>>
      %dma_wait3A_51 = arith.constant 0 : i32
      %dma_wait3A_52 = tpu.memref_slice %arg9[%add3A_13, %dma_wait3A_51] : memref<10112x128xf32, #tpu.memory_space<vmem_shared>> -> memref<128x128xf32, #tpu.memory_space<vmem_shared>>
      %dma_wait3A_53 = arith.constant 0 : i32
      %dma_wait3A_54 = tpu.memref_slice %arg9[%add3A_13, %dma_wait3A_53] : memref<10112x128xf32, #tpu.memory_space<vmem_shared>> -> memref<128x128xf32, #tpu.memory_space<vmem_shared>>
      %dma_wait3A_55 = arith.constant 0 : i32
      %dma_wait3A_56 = arith.constant 0 : i32
      %dma_wait3A_57 = tpu.memref_slice %arg8[%dma_wait3A_55, %dma_wait3A_56] : memref<128x128xf32, #tpu.memory_space<vmem>> -> memref<128x128xf32, #tpu.memory_space<vmem>>
      tpu.wait_dma2 semaphore(%run_scoped3A : memref<!tpu.dma_semaphore, #tpu.memory_space<semaphore_mem>>) src(%dma_wait3A_57 : memref<128x128xf32, #tpu.memory_space<vmem>>) dst(%dma_wait3A_54 : memref<128x128xf32, #tpu.memory_space<vmem_shared>>)
      tpu.yield
    }) : () -> ()
    %mul3A_14 = arith.constant 632 : i32
    %mul3A_15 = arith.muli %arg1, %mul3A_14 : i32
    %add3A_16 = arith.constant 256 : i32
    %add3A_17 = arith.addi %mul3A_15, %add3A_16 : i32
    "tpu.region"() ({
      %run_scoped3A = tpu.sem_alloc : memref<!tpu.dma_semaphore, #tpu.memory_space<semaphore_mem>>
      %dma_start3A = arith.constant 0 : i32
      %dma_start3A_40 = arith.constant 0 : i32
      %dma_start3A_41 = tpu.memref_slice %arg8[%dma_start3A, %dma_start3A_40] : memref<128x128xf32, #tpu.memory_space<vmem>> -> memref<128x128xf32, #tpu.memory_space<vmem>>
      %dma_start3A_42 = arith.constant 0 : i32
      %dma_start3A_43 = tpu.memref_slice %arg9[%add3A_17, %dma_start3A_42] : memref<10112x128xf32, #tpu.memory_space<vmem_shared>> -> memref<128x128xf32, #tpu.memory_space<vmem_shared>>
      %dma_start3A_44 = arith.constant 0 : i32
      %dma_start3A_45 = tpu.memref_slice %arg9[%add3A_17, %dma_start3A_44] : memref<10112x128xf32, #tpu.memory_space<vmem_shared>> -> memref<128x128xf32, #tpu.memory_space<vmem_shared>>
      %dma_start3A_46 = arith.constant 0 : i32
      %dma_start3A_47 = arith.constant 0 : i32
      %dma_start3A_48 = tpu.memref_slice %arg8[%dma_start3A_46, %dma_start3A_47] : memref<128x128xf32, #tpu.memory_space<vmem>> -> memref<128x128xf32, #tpu.memory_space<vmem>>
      tpu.enqueue_dma source(%dma_start3A_48 : memref<128x128xf32, #tpu.memory_space<vmem>>) target(%dma_start3A_45 : memref<128x128xf32, #tpu.memory_space<vmem_shared>>) target_semaphore(%run_scoped3A : memref<!tpu.dma_semaphore, #tpu.memory_space<semaphore_mem>>)
      %dma_wait3A = arith.constant 0 : i32
      %dma_wait3A_49 = arith.constant 0 : i32
      %dma_wait3A_50 = tpu.memref_slice %arg8[%dma_wait3A, %dma_wait3A_49] : memref<128x128xf32, #tpu.memory_space<vmem>> -> memref<128x128xf32, #tpu.memory_space<vmem>>
      %dma_wait3A_51 = arith.constant 0 : i32
      %dma_wait3A_52 = tpu.memref_slice %arg9[%add3A_17, %dma_wait3A_51] : memref<10112x128xf32, #tpu.memory_space<vmem_shared>> -> memref<128x128xf32, #tpu.memory_space<vmem_shared>>
      %dma_wait3A_53 = arith.constant 0 : i32
      %dma_wait3A_54 = tpu.memref_slice %arg9[%add3A_17, %dma_wait3A_53] : memref<10112x128xf32, #tpu.memory_space<vmem_shared>> -> memref<128x128xf32, #tpu.memory_space<vmem_shared>>
      %dma_wait3A_55 = arith.constant 0 : i32
      %dma_wait3A_56 = arith.constant 0 : i32
      %dma_wait3A_57 = tpu.memref_slice %arg8[%dma_wait3A_55, %dma_wait3A_56] : memref<128x128xf32, #tpu.memory_space<vmem>> -> memref<128x128xf32, #tpu.memory_space<vmem>>
      tpu.wait_dma2 semaphore(%run_scoped3A : memref<!tpu.dma_semaphore, #tpu.memory_space<semaphore_mem>>) src(%dma_wait3A_57 : memref<128x128xf32, #tpu.memory_space<vmem>>) dst(%dma_wait3A_54 : memref<128x128xf32, #tpu.memory_space<vmem_shared>>)
      tpu.yield
    }) : () -> ()
    %mul3A_18 = arith.constant 632 : i32
    %mul3A_19 = arith.muli %arg1, %mul3A_18 : i32
    %add3A_20 = arith.constant 384 : i32
    %add3A_21 = arith.addi %mul3A_19, %add3A_20 : i32
    "tpu.region"() ({
      %run_scoped3A = tpu.sem_alloc : memref<!tpu.dma_semaphore, #tpu.memory_space<semaphore_mem>>
      %dma_start3A = arith.constant 0 : i32
      %dma_start3A_40 = arith.constant 0 : i32
      %dma_start3A_41 = tpu.memref_slice %arg8[%dma_start3A, %dma_start3A_40] : memref<128x128xf32, #tpu.memory_space<vmem>> -> memref<128x128xf32, #tpu.memory_space<vmem>>
      %dma_start3A_42 = arith.constant 0 : i32
      %dma_start3A_43 = tpu.memref_slice %arg9[%add3A_21, %dma_start3A_42] : memref<10112x128xf32, #tpu.memory_space<vmem_shared>> -> memref<128x128xf32, #tpu.memory_space<vmem_shared>>
      %dma_start3A_44 = arith.constant 0 : i32
      %dma_start3A_45 = tpu.memref_slice %arg9[%add3A_21, %dma_start3A_44] : memref<10112x128xf32, #tpu.memory_space<vmem_shared>> -> memref<128x128xf32, #tpu.memory_space<vmem_shared>>
      %dma_start3A_46 = arith.constant 0 : i32
      %dma_start3A_47 = arith.constant 0 : i32
      %dma_start3A_48 = tpu.memref_slice %arg8[%dma_start3A_46, %dma_start3A_47] : memref<128x128xf32, #tpu.memory_space<vmem>> -> memref<128x128xf32, #tpu.memory_space<vmem>>
      tpu.enqueue_dma source(%dma_start3A_48 : memref<128x128xf32, #tpu.memory_space<vmem>>) target(%dma_start3A_45 : memref<128x128xf32, #tpu.memory_space<vmem_shared>>) target_semaphore(%run_scoped3A : memref<!tpu.dma_semaphore, #tpu.memory_space<semaphore_mem>>)
      %dma_wait3A = arith.constant 0 : i32
      %dma_wait3A_49 = arith.constant 0 : i32
      %dma_wait3A_50 = tpu.memref_slice %arg8[%dma_wait3A, %dma_wait3A_49] : memref<128x128xf32, #tpu.memory_space<vmem>> -> memref<128x128xf32, #tpu.memory_space<vmem>>
      %dma_wait3A_51 = arith.constant 0 : i32
      %dma_wait3A_52 = tpu.memref_slice %arg9[%add3A_21, %dma_wait3A_51] : memref<10112x128xf32, #tpu.memory_space<vmem_shared>> -> memref<128x128xf32, #tpu.memory_space<vmem_shared>>
      %dma_wait3A_53 = arith.constant 0 : i32
      %dma_wait3A_54 = tpu.memref_slice %arg9[%add3A_21, %dma_wait3A_53] : memref<10112x128xf32, #tpu.memory_space<vmem_shared>> -> memref<128x128xf32, #tpu.memory_space<vmem_shared>>
      %dma_wait3A_55 = arith.constant 0 : i32
      %dma_wait3A_56 = arith.constant 0 : i32
      %dma_wait3A_57 = tpu.memref_slice %arg8[%dma_wait3A_55, %dma_wait3A_56] : memref<128x128xf32, #tpu.memory_space<vmem>> -> memref<128x128xf32, #tpu.memory_space<vmem>>
      tpu.wait_dma2 semaphore(%run_scoped3A : memref<!tpu.dma_semaphore, #tpu.memory_space<semaphore_mem>>) src(%dma_wait3A_57 : memref<128x128xf32, #tpu.memory_space<vmem>>) dst(%dma_wait3A_54 : memref<128x128xf32, #tpu.memory_space<vmem_shared>>)
      tpu.yield
    }) : () -> ()
    %mul3A_22 = arith.constant 632 : i32
    %mul3A_23 = arith.muli %arg1, %mul3A_22 : i32
    %add3A_24 = arith.constant 512 : i32
    %add3A_25 = arith.addi %mul3A_23, %add3A_24 : i32
    "tpu.region"() ({
      %run_scoped3A = tpu.sem_alloc : memref<!tpu.dma_semaphore, #tpu.memory_space<semaphore_mem>>
      %dma_start3A = arith.constant 0 : i32
      %dma_start3A_40 = arith.constant 0 : i32
      %dma_start3A_41 = tpu.memref_slice %arg8[%dma_start3A, %dma_start3A_40] : memref<128x128xf32, #tpu.memory_space<vmem>> -> memref<120x128xf32, #tpu.memory_space<vmem>>
      %dma_start3A_42 = arith.constant 0 : i32
      %dma_start3A_43 = tpu.memref_slice %arg9[%add3A_25, %dma_start3A_42] : memref<10112x128xf32, #tpu.memory_space<vmem_shared>> -> memref<120x128xf32, #tpu.memory_space<vmem_shared>>
      %dma_start3A_44 = arith.constant 0 : i32
      %dma_start3A_45 = tpu.memref_slice %arg9[%add3A_25, %dma_start3A_44] : memref<10112x128xf32, #tpu.memory_space<vmem_shared>> -> memref<120x128xf32, #tpu.memory_space<vmem_shared>>
      %dma_start3A_46 = arith.constant 0 : i32
      %dma_start3A_47 = arith.constant 0 : i32
      %dma_start3A_48 = tpu.memref_slice %arg8[%dma_start3A_46, %dma_start3A_47] : memref<128x128xf32, #tpu.memory_space<vmem>> -> memref<120x128xf32, #tpu.memory_space<vmem>>
      tpu.enqueue_dma source(%dma_start3A_48 : memref<120x128xf32, #tpu.memory_space<vmem>>) target(%dma_start3A_45 : memref<120x128xf32, #tpu.memory_space<vmem_shared>>) target_semaphore(%run_scoped3A : memref<!tpu.dma_semaphore, #tpu.memory_space<semaphore_mem>>)
      %dma_wait3A = arith.constant 0 : i32
      %dma_wait3A_49 = arith.constant 0 : i32
      %dma_wait3A_50 = tpu.memref_slice %arg8[%dma_wait3A, %dma_wait3A_49] : memref<128x128xf32, #tpu.memory_space<vmem>> -> memref<120x128xf32, #tpu.memory_space<vmem>>
      %dma_wait3A_51 = arith.constant 0 : i32
      %dma_wait3A_52 = tpu.memref_slice %arg9[%add3A_25, %dma_wait3A_51] : memref<10112x128xf32, #tpu.memory_space<vmem_shared>> -> memref<120x128xf32, #tpu.memory_space<vmem_shared>>
      %dma_wait3A_53 = arith.constant 0 : i32
      %dma_wait3A_54 = tpu.memref_slice %arg9[%add3A_25, %dma_wait3A_53] : memref<10112x128xf32, #tpu.memory_space<vmem_shared>> -> memref<120x128xf32, #tpu.memory_space<vmem_shared>>
      %dma_wait3A_55 = arith.constant 0 : i32
      %dma_wait3A_56 = arith.constant 0 : i32
      %dma_wait3A_57 = tpu.memref_slice %arg8[%dma_wait3A_55, %dma_wait3A_56] : memref<128x128xf32, #tpu.memory_space<vmem>> -> memref<120x128xf32, #tpu.memory_space<vmem>>
      tpu.wait_dma2 semaphore(%run_scoped3A : memref<!tpu.dma_semaphore, #tpu.memory_space<semaphore_mem>>) src(%dma_wait3A_57 : memref<120x128xf32, #tpu.memory_space<vmem>>) dst(%dma_wait3A_54 : memref<120x128xf32, #tpu.memory_space<vmem_shared>>)
      tpu.yield
    }) : () -> ()
    "tpu.region"() ({
      %run_scoped3A = tpu.sem_alloc : memref<!tpu.dma_semaphore, #tpu.memory_space<semaphore_mem>>
      %dma_start3A = arith.constant 0 : i32
      %dma_start3A_40 = arith.constant 0 : i32
      %dma_start3A_41 = tpu.memref_slice %arg3[%add3A, %dma_start3A, %dma_start3A_40] : memref<32x79x128xi32, #tpu.memory_space<hbm>> -> memref<1x79x128xi32, #tpu.memory_space<hbm>>
      %dma_start3A_42 = tpu.memref_squeeze %dma_start3A_41 : memref<1x79x128xi32, #tpu.memory_space<hbm>> -> memref<79x128xi32, #tpu.memory_space<hbm>>
      %dma_start3A_43 = arith.constant 0 : i32
      %dma_start3A_44 = arith.constant 0 : i32
      %dma_start3A_45 = tpu.memref_slice %arg3[%add3A, %dma_start3A_43, %dma_start3A_44] : memref<32x79x128xi32, #tpu.memory_space<hbm>> -> memref<1x79x128xi32, #tpu.memory_space<hbm>>
      %dma_start3A_46 = tpu.memref_squeeze %dma_start3A_45 : memref<1x79x128xi32, #tpu.memory_space<hbm>> -> memref<79x128xi32, #tpu.memory_space<hbm>>
      tpu.enqueue_dma source(%dma_start3A_46 : memref<79x128xi32, #tpu.memory_space<hbm>>) target(%arg6 : memref<79x128xi32, #tpu.memory_space<vmem>>) target_semaphore(%run_scoped3A : memref<!tpu.dma_semaphore, #tpu.memory_space<semaphore_mem>>)
      %dma_wait3A = arith.constant 0 : i32
      %dma_wait3A_47 = arith.constant 0 : i32
      %dma_wait3A_48 = tpu.memref_slice %arg3[%add3A, %dma_wait3A, %dma_wait3A_47] : memref<32x79x128xi32, #tpu.memory_space<hbm>> -> memref<1x79x128xi32, #tpu.memory_space<hbm>>
      %dma_wait3A_49 = tpu.memref_squeeze %dma_wait3A_48 : memref<1x79x128xi32, #tpu.memory_space<hbm>> -> memref<79x128xi32, #tpu.memory_space<hbm>>
      %dma_wait3A_50 = arith.constant 0 : i32
      %dma_wait3A_51 = arith.constant 0 : i32
      %dma_wait3A_52 = tpu.memref_slice %arg3[%add3A, %dma_wait3A_50, %dma_wait3A_51] : memref<32x79x128xi32, #tpu.memory_space<hbm>> -> memref<1x79x128xi32, #tpu.memory_space<hbm>>
      %dma_wait3A_53 = tpu.memref_squeeze %dma_wait3A_52 : memref<1x79x128xi32, #tpu.memory_space<hbm>> -> memref<79x128xi32, #tpu.memory_space<hbm>>
      tpu.wait_dma2 semaphore(%run_scoped3A : memref<!tpu.dma_semaphore, #tpu.memory_space<semaphore_mem>>) src(%dma_wait3A_53 : memref<79x128xi32, #tpu.memory_space<hbm>>) dst(%arg6 : memref<79x128xi32, #tpu.memory_space<vmem>>)
      tpu.yield
    }) : () -> ()
    "tpu.region"() ({
      %run_scoped3A = tpu.sem_alloc : memref<!tpu.dma_semaphore, #tpu.memory_space<semaphore_mem>>
      %dma_start3A = arith.constant 0 : i32
      %dma_start3A_40 = arith.constant 0 : i32
      %dma_start3A_41 = tpu.memref_slice %arg4[%add3A, %dma_start3A, %dma_start3A_40] : memref<32x79x128xi32, #tpu.memory_space<hbm>> -> memref<1x79x128xi32, #tpu.memory_space<hbm>>
      %dma_start3A_42 = tpu.memref_squeeze %dma_start3A_41 : memref<1x79x128xi32, #tpu.memory_space<hbm>> -> memref<79x128xi32, #tpu.memory_space<hbm>>
      %dma_start3A_43 = arith.constant 0 : i32
      %dma_start3A_44 = arith.constant 0 : i32
      %dma_start3A_45 = tpu.memref_slice %arg4[%add3A, %dma_start3A_43, %dma_start3A_44] : memref<32x79x128xi32, #tpu.memory_space<hbm>> -> memref<1x79x128xi32, #tpu.memory_space<hbm>>
      %dma_start3A_46 = tpu.memref_squeeze %dma_start3A_45 : memref<1x79x128xi32, #tpu.memory_space<hbm>> -> memref<79x128xi32, #tpu.memory_space<hbm>>
      tpu.enqueue_dma source(%dma_start3A_46 : memref<79x128xi32, #tpu.memory_space<hbm>>) target(%arg7 : memref<79x128xi32, #tpu.memory_space<vmem>>) target_semaphore(%run_scoped3A : memref<!tpu.dma_semaphore, #tpu.memory_space<semaphore_mem>>)
      %dma_wait3A = arith.constant 0 : i32
      %dma_wait3A_47 = arith.constant 0 : i32
      %dma_wait3A_48 = tpu.memref_slice %arg4[%add3A, %dma_wait3A, %dma_wait3A_47] : memref<32x79x128xi32, #tpu.memory_space<hbm>> -> memref<1x79x128xi32, #tpu.memory_space<hbm>>
      %dma_wait3A_49 = tpu.memref_squeeze %dma_wait3A_48 : memref<1x79x128xi32, #tpu.memory_space<hbm>> -> memref<79x128xi32, #tpu.memory_space<hbm>>
      %dma_wait3A_50 = arith.constant 0 : i32
      %dma_wait3A_51 = arith.constant 0 : i32
      %dma_wait3A_52 = tpu.memref_slice %arg4[%add3A, %dma_wait3A_50, %dma_wait3A_51] : memref<32x79x128xi32, #tpu.memory_space<hbm>> -> memref<1x79x128xi32, #tpu.memory_space<hbm>>
      %dma_wait3A_53 = tpu.memref_squeeze %dma_wait3A_52 : memref<1x79x128xi32, #tpu.memory_space<hbm>> -> memref<79x128xi32, #tpu.memory_space<hbm>>
      tpu.wait_dma2 semaphore(%run_scoped3A : memref<!tpu.dma_semaphore, #tpu.memory_space<semaphore_mem>>) src(%dma_wait3A_53 : memref<79x128xi32, #tpu.memory_space<hbm>>) dst(%arg7 : memref<79x128xi32, #tpu.memory_space<vmem>>)
      tpu.yield
    }) : () -> ()
    %barrier3A = arith.constant 0 : index
    tpu.barrier barrier_id(%barrier3A)
    %scan3A_26 = arith.constant 0 : i32
    %scan3A_27 = arith.constant 0 : i32
    %scan3A_28 = arith.constant 79 : i32
    %scan3A_29 = arith.addi %scan3A_27, %scan3A_28 : i32
    %scan3A_30 = arith.constant 1 : i32
    scf.for %scan3A_40 = %scan3A_27 to %scan3A_29 step %scan3A_30  : i32 {
      %dma_start3A = arith.constant 0 : i32
      %dma_start3A_41 = tpu.memref_slice %arg6[%scan3A_40, %dma_start3A] : memref<79x128xi32, #tpu.memory_space<vmem>> -> memref<1x128xi32, #tpu.memory_space<vmem>>
      %dma_start3A_42 = tpu.memref_squeeze %dma_start3A_41 : memref<1x128xi32, #tpu.memory_space<vmem>> -> memref<128xi32, #tpu.memory_space<vmem>>
      %dma_start3A_43 = arith.constant 0 : i32
      %dma_start3A_44 = arith.constant 0 : i32
      %dma_start3A_45 = tpu.memref_slice %arg2[%dma_start3A_43, %dma_start3A_44] : memref<10112x128xf32, #tpu.memory_space<hbm>> -> memref<10112x128xf32, #tpu.memory_space<hbm>>
      tpu.enqueue_indirect_dma source(%dma_start3A_45 : memref<10112x128xf32, #tpu.memory_space<hbm>>) target(%arg8 : memref<128x128xf32, #tpu.memory_space<vmem>>) offsets(%dma_start3A_42 : memref<128xi32, #tpu.memory_space<vmem>>) semaphore(%arg10 : memref<!tpu.dma_semaphore, #tpu.memory_space<semaphore_mem>>)
      %dma_wait3A = arith.constant 0 : i32
      %dma_wait3A_46 = tpu.memref_slice %arg6[%scan3A_40, %dma_wait3A] : memref<79x128xi32, #tpu.memory_space<vmem>> -> memref<1x128xi32, #tpu.memory_space<vmem>>
      %dma_wait3A_47 = tpu.memref_squeeze %dma_wait3A_46 : memref<1x128xi32, #tpu.memory_space<vmem>> -> memref<128xi32, #tpu.memory_space<vmem>>
      %dma_wait3A_48 = arith.constant 0 : i32
      %dma_wait3A_49 = arith.constant 0 : i32
      %dma_wait3A_50 = tpu.memref_slice %arg2[%dma_wait3A_48, %dma_wait3A_49] : memref<10112x128xf32, #tpu.memory_space<hbm>> -> memref<10112x128xf32, #tpu.memory_space<hbm>>
      tpu.wait_indirect_dma semaphore(%arg10 : memref<!tpu.dma_semaphore, #tpu.memory_space<semaphore_mem>>) src(%dma_wait3A_50 : memref<10112x128xf32, #tpu.memory_space<hbm>>) dst(%arg8 : memref<128x128xf32, #tpu.memory_space<vmem>>)
      "tpu.region"() ({
        %run_scoped3A = tpu.sem_alloc : memref<!tpu.dma_semaphore, #tpu.memory_space<semaphore_mem>>
        %dma_start3A_51 = arith.constant 0 : i32
        %dma_start3A_52 = tpu.memref_slice %arg7[%scan3A_40, %dma_start3A_51] : memref<79x128xi32, #tpu.memory_space<vmem>> -> memref<1x128xi32, #tpu.memory_space<vmem>>
        %dma_start3A_53 = tpu.memref_squeeze %dma_start3A_52 : memref<1x128xi32, #tpu.memory_space<vmem>> -> memref<128xi32, #tpu.memory_space<vmem>>
        %dma_start3A_54 = arith.constant 0 : i32
        %dma_start3A_55 = arith.constant 0 : i32
        %dma_start3A_56 = tpu.memref_slice %arg9[%dma_start3A_54, %dma_start3A_55] : memref<10112x128xf32, #tpu.memory_space<vmem_shared>> -> memref<10112x128xf32, #tpu.memory_space<vmem_shared>>
        tpu.enqueue_indirect_dma source(%arg8 : memref<128x128xf32, #tpu.memory_space<vmem>>) target(%dma_start3A_56 : memref<10112x128xf32, #tpu.memory_space<vmem_shared>>) offsets(%dma_start3A_53 : memref<128xi32, #tpu.memory_space<vmem>>) semaphore(%run_scoped3A : memref<!tpu.dma_semaphore, #tpu.memory_space<semaphore_mem>>) {add = true}
        %dma_wait3A_57 = arith.constant 0 : i32
        %dma_wait3A_58 = tpu.memref_slice %arg7[%scan3A_40, %dma_wait3A_57] : memref<79x128xi32, #tpu.memory_space<vmem>> -> memref<1x128xi32, #tpu.memory_space<vmem>>
        %dma_wait3A_59 = tpu.memref_squeeze %dma_wait3A_58 : memref<1x128xi32, #tpu.memory_space<vmem>> -> memref<128xi32, #tpu.memory_space<vmem>>
        %dma_wait3A_60 = arith.constant 0 : i32
        %dma_wait3A_61 = arith.constant 0 : i32
        %dma_wait3A_62 = tpu.memref_slice %arg9[%dma_wait3A_60, %dma_wait3A_61] : memref<10112x128xf32, #tpu.memory_space<vmem_shared>> -> memref<10112x128xf32, #tpu.memory_space<vmem_shared>>
        tpu.wait_indirect_dma semaphore(%run_scoped3A : memref<!tpu.dma_semaphore, #tpu.memory_space<semaphore_mem>>) src(%arg8 : memref<128x128xf32, #tpu.memory_space<vmem>>) dst(%dma_wait3A_62 : memref<10112x128xf32, #tpu.memory_space<vmem_shared>>)
        tpu.yield
      }) : () -> ()
    }
    %scan3A_31 = arith.constant 79 : i32
    %barrier3A_32 = arith.constant 0 : index
    tpu.barrier barrier_id(%barrier3A_32)
    %mul3A_33 = arith.constant 632 : i32
    %mul3A_34 = arith.muli %arg1, %mul3A_33 : i32
    %mul3A_35 = arith.constant 10112 : i32
    %mul3A_36 = arith.muli %arg0, %mul3A_35 : i32
    %mul3A_37 = arith.constant 632 : i32
    %mul3A_38 = arith.muli %arg1, %mul3A_37 : i32
    %add3A_39 = arith.addi %mul3A_36, %mul3A_38 : i32
    "tpu.region"() ({
      %run_scoped3A = tpu.sem_alloc : memref<!tpu.dma_semaphore, #tpu.memory_space<semaphore_mem>>
      %dma_start3A = arith.constant 0 : i32
      %dma_start3A_40 = tpu.memref_slice %arg5[%add3A_39, %dma_start3A] : memref<20224x128xf32, #tpu.memory_space<hbm>> -> memref<632x128xf32, #tpu.memory_space<hbm>>
      %dma_start3A_41 = arith.constant 0 : i32
      %dma_start3A_42 = tpu.memref_slice %arg9[%mul3A_34, %dma_start3A_41] : memref<10112x128xf32, #tpu.memory_space<vmem_shared>> -> memref<632x128xf32, #tpu.memory_space<vmem_shared>>
      tpu.enqueue_dma source(%dma_start3A_42 : memref<632x128xf32, #tpu.memory_space<vmem_shared>>) target(%dma_start3A_40 : memref<632x128xf32, #tpu.memory_space<hbm>>) target_semaphore(%run_scoped3A : memref<!tpu.dma_semaphore, #tpu.memory_space<semaphore_mem>>)
      %dma_wait3A = arith.constant 0 : i32
      %dma_wait3A_43 = tpu.memref_slice %arg5[%add3A_39, %dma_wait3A] : memref<20224x128xf32, #tpu.memory_space<hbm>> -> memref<632x128xf32, #tpu.memory_space<hbm>>
      %dma_wait3A_44 = arith.constant 0 : i32
      %dma_wait3A_45 = tpu.memref_slice %arg9[%mul3A_34, %dma_wait3A_44] : memref<10112x128xf32, #tpu.memory_space<vmem_shared>> -> memref<632x128xf32, #tpu.memory_space<vmem_shared>>
      tpu.wait_dma2 semaphore(%run_scoped3A : memref<!tpu.dma_semaphore, #tpu.memory_space<semaphore_mem>>) src(%dma_wait3A_45 : memref<632x128xf32, #tpu.memory_space<vmem_shared>>) dst(%dma_wait3A_43 : memref<632x128xf32, #tpu.memory_space<hbm>>)
      tpu.yield
    }) : () -> ()
    return
  }
}

#map = affine_map<(d0, d1) -> (0, 0)>
#map1 = affine_map<(d0, d1) -> (0, 0, 0)>
module attributes {stable_mosaic.version = 14 : i64} {
  func.func @body(%arg0: i32, %arg1: i32, %arg2: memref<10112x128xf32, #tpu.memory_space<hbm>>, %arg3: memref<32x79x128xi32, #tpu.memory_space<hbm>>, %arg4: memref<32x79x128xi32, #tpu.memory_space<hbm>>, %arg5: memref<20224x128xf32, #tpu.memory_space<hbm>>, %arg6: memref<79x128xi32, #tpu.memory_space<vmem>>, %arg7: memref<79x128xi32, #tpu.memory_space<vmem>>, %arg8: memref<128x128xf32, #tpu.memory_space<vmem>>, %arg9: memref<10112x128xf32, #tpu.memory_space<vmem_shared>>, %arg10: memref<!tpu.dma_semaphore, #tpu.memory_space<semaphore_mem>>) attributes {dimension_semantics = [#tpu.dimension_semantics<core_parallel>, #tpu.dimension_semantics<subcore_parallel>], iteration_bounds = array<i64: 2, 16>, scalar_prefetch = 0 : i64, scratch_operands = 5 : i64, tpu.core_type = #tpu.core_type<sc_vector_subcore>, window_params = [{transform_indices = #map}, {transform_indices = #map1}, {transform_indices = #map1}, {transform_indices = #map}]} {
    %mul3A = arith.constant 2 : i32
    %mul3A_0 = arith.muli %arg1, %mul3A : i32
    %add3A = arith.addi %mul3A_0, %arg0 : i32
    %scan3A = arith.constant 0 : i32
    %scan3A_1 = arith.constant 0 : i32
    %scan3A_2 = arith.constant 128 : i32
    %scan3A_3 = arith.addi %scan3A_1, %scan3A_2 : i32
    %scan3A_4 = arith.constant 1 : i32
    scf.for %scan3A_40 = %scan3A_1 to %scan3A_3 step %scan3A_4  : i32 {
      %broadcast_in_dim3A = arith.constant 0.000000e+00 : f32
      %broadcast_in_dim3A_41 = vector.broadcast %broadcast_in_dim3A : f32 to vector<16xf32>
      %swap3A = arith.index_cast %scan3A_40 : i32 to index
      %swap3A_42 = arith.constant 0 : index
      %swap3A_43 = tpu.vector_load %arg8[%swap3A, %swap3A_42] {strides = array<i32>} : memref<128x128xf32, #tpu.memory_space<vmem>>, vector<1x16xf32>,
      %swap3A_44 = vector.shape_cast %swap3A_43 : vector<1x16xf32> to vector<16xf32>
      %swap3A_45 = vector.shape_cast %broadcast_in_dim3A_41 : vector<16xf32> to vector<1x16xf32>
      tpu.vector_store %arg8[%swap3A, %swap3A_42], %swap3A_45 {strides = array<i32>} : memref<128x128xf32, #tpu.memory_space<vmem>>, vector<1x16xf32>,
      %broadcast_in_dim3A_46 = arith.constant 0.000000e+00 : f32
      %broadcast_in_dim3A_47 = vector.broadcast %broadcast_in_dim3A_46 : f32 to vector<16xf32>
      %swap3A_48 = arith.index_cast %scan3A_40 : i32 to index
      %swap3A_49 = arith.constant 16 : index
      %swap3A_50 = tpu.vector_load %arg8[%swap3A_48, %swap3A_49] {strides = array<i32>} : memref<128x128xf32, #tpu.memory_space<vmem>>, vector<1x16xf32>,
      %swap3A_51 = vector.shape_cast %swap3A_50 : vector<1x16xf32> to vector<16xf32>
      %swap3A_52 = vector.shape_cast %broadcast_in_dim3A_47 : vector<16xf32> to vector<1x16xf32>
      tpu.vector_store %arg8[%swap3A_48, %swap3A_49], %swap3A_52 {strides = array<i32>} : memref<128x128xf32, #tpu.memory_space<vmem>>, vector<1x16xf32>,
      %broadcast_in_dim3A_53 = arith.constant 0.000000e+00 : f32
      %broadcast_in_dim3A_54 = vector.broadcast %broadcast_in_dim3A_53 : f32 to vector<16xf32>
      %swap3A_55 = arith.index_cast %scan3A_40 : i32 to index
      %swap3A_56 = arith.constant 32 : index
      %swap3A_57 = tpu.vector_load %arg8[%swap3A_55, %swap3A_56] {strides = array<i32>} : memref<128x128xf32, #tpu.memory_space<vmem>>, vector<1x16xf32>,
      %swap3A_58 = vector.shape_cast %swap3A_57 : vector<1x16xf32> to vector<16xf32>
      %swap3A_59 = vector.shape_cast %broadcast_in_dim3A_54 : vector<16xf32> to vector<1x16xf32>
      tpu.vector_store %arg8[%swap3A_55, %swap3A_56], %swap3A_59 {strides = array<i32>} : memref<128x128xf32, #tpu.memory_space<vmem>>, vector<1x16xf32>,
      %broadcast_in_dim3A_60 = arith.constant 0.000000e+00 : f32
      %broadcast_in_dim3A_61 = vector.broadcast %broadcast_in_dim3A_60 : f32 to vector<16xf32>
      %swap3A_62 = arith.index_cast %scan3A_40 : i32 to index
      %swap3A_63 = arith.constant 48 : index
      %swap3A_64 = tpu.vector_load %arg8[%swap3A_62, %swap3A_63] {strides = array<i32>} : memref<128x128xf32, #tpu.memory_space<vmem>>, vector<1x16xf32>,
      %swap3A_65 = vector.shape_cast %swap3A_64 : vector<1x16xf32> to vector<16xf32>
      %swap3A_66 = vector.shape_cast %broadcast_in_dim3A_61 : vector<16xf32> to vector<1x16xf32>
      tpu.vector_store %arg8[%swap3A_62, %swap3A_63], %swap3A_66 {strides = array<i32>} : memref<128x128xf32, #tpu.memory_space<vmem>>, vector<1x16xf32>,
      %broadcast_in_dim3A_67 = arith.constant 0.000000e+00 : f32
      %broadcast_in_dim3A_68 = vector.broadcast %broadcast_in_dim3A_67 : f32 to vector<16xf32>
      %swap3A_69 = arith.index_cast %scan3A_40 : i32 to index
      %swap3A_70 = arith.constant 64 : index
      %swap3A_71 = tpu.vector_load %arg8[%swap3A_69, %swap3A_70] {strides = array<i32>} : memref<128x128xf32, #tpu.memory_space<vmem>>, vector<1x16xf32>,
      %swap3A_72 = vector.shape_cast %swap3A_71 : vector<1x16xf32> to vector<16xf32>
      %swap3A_73 = vector.shape_cast %broadcast_in_dim3A_68 : vector<16xf32> to vector<1x16xf32>
      tpu.vector_store %arg8[%swap3A_69, %swap3A_70], %swap3A_73 {strides = array<i32>} : memref<128x128xf32, #tpu.memory_space<vmem>>, vector<1x16xf32>,
      %broadcast_in_dim3A_74 = arith.constant 0.000000e+00 : f32
      %broadcast_in_dim3A_75 = vector.broadcast %broadcast_in_dim3A_74 : f32 to vector<16xf32>
      %swap3A_76 = arith.index_cast %scan3A_40 : i32 to index
      %swap3A_77 = arith.constant 80 : index
      %swap3A_78 = tpu.vector_load %arg8[%swap3A_76, %swap3A_77] {strides = array<i32>} : memref<128x128xf32, #tpu.memory_space<vmem>>, vector<1x16xf32>,
      %swap3A_79 = vector.shape_cast %swap3A_78 : vector<1x16xf32> to vector<16xf32>
      %swap3A_80 = vector.shape_cast %broadcast_in_dim3A_75 : vector<16xf32> to vector<1x16xf32>
      tpu.vector_store %arg8[%swap3A_76, %swap3A_77], %swap3A_80 {strides = array<i32>} : memref<128x128xf32, #tpu.memory_space<vmem>>, vector<1x16xf32>,
      %broadcast_in_dim3A_81 = arith.constant 0.000000e+00 : f32
      %broadcast_in_dim3A_82 = vector.broadcast %broadcast_in_dim3A_81 : f32 to vector<16xf32>
      %swap3A_83 = arith.index_cast %scan3A_40 : i32 to index
      %swap3A_84 = arith.constant 96 : index
      %swap3A_85 = tpu.vector_load %arg8[%swap3A_83, %swap3A_84] {strides = array<i32>} : memref<128x128xf32, #tpu.memory_space<vmem>>, vector<1x16xf32>,
      %swap3A_86 = vector.shape_cast %swap3A_85 : vector<1x16xf32> to vector<16xf32>
      %swap3A_87 = vector.shape_cast %broadcast_in_dim3A_82 : vector<16xf32> to vector<1x16xf32>
      tpu.vector_store %arg8[%swap3A_83, %swap3A_84], %swap3A_87 {strides = array<i32>} : memref<128x128xf32, #tpu.memory_space<vmem>>, vector<1x16xf32>,
      %broadcast_in_dim3A_88 = arith.constant 0.000000e+00 : f32
      %broadcast_in_dim3A_89 = vector.broadcast %broadcast_in_dim3A_88 : f32 to vector<16xf32>
      %swap3A_90 = arith.index_cast %scan3A_40 : i32 to index
      %swap3A_91 = arith.constant 112 : index
      %swap3A_92 = tpu.vector_load %arg8[%swap3A_90, %swap3A_91] {strides = array<i32>} : memref<128x128xf32, #tpu.memory_space<vmem>>, vector<1x16xf32>,
      %swap3A_93 = vector.shape_cast %swap3A_92 : vector<1x16xf32> to vector<16xf32>
      %swap3A_94 = vector.shape_cast %broadcast_in_dim3A_89 : vector<16xf32> to vector<1x16xf32>
      tpu.vector_store %arg8[%swap3A_90, %swap3A_91], %swap3A_94 {strides = array<i32>} : memref<128x128xf32, #tpu.memory_space<vmem>>, vector<1x16xf32>,
    }
    %scan3A_5 = arith.constant 128 : i32
    %mul3A_6 = arith.constant 632 : i32
    %mul3A_7 = arith.muli %arg1, %mul3A_6 : i32
    %add3A_8 = arith.constant 0 : i32
    %add3A_9 = arith.addi %mul3A_7, %add3A_8 : i32
    "tpu.region"() ({
      %run_scoped3A = tpu.sem_alloc : memref<!tpu.dma_semaphore, #tpu.memory_space<semaphore_mem>>
      %dma_start3A = arith.constant 0 : i32
      %dma_start3A_40 = arith.constant 0 : i32
      %dma_start3A_41 = tpu.memref_slice %arg8[%dma_start3A, %dma_start3A_40] : memref<128x128xf32, #tpu.memory_space<vmem>> -> memref<128x128xf32, #tpu.memory_space<vmem>>
      %dma_start3A_42 = arith.constant 0 : i32
      %dma_start3A_43 = tpu.memref_slice %arg9[%add3A_9, %dma_start3A_42] : memref<10112x128xf32, #tpu.memory_space<vmem_shared>> -> memref<128x128xf32, #tpu.memory_space<vmem_shared>>
      %dma_start3A_44 = arith.constant 0 : i32
      %dma_start3A_45 = tpu.memref_slice %arg9[%add3A_9, %dma_start3A_44] : memref<10112x128xf32, #tpu.memory_space<vmem_shared>> -> memref<128x128xf32, #tpu.memory_space<vmem_shared>>
      %dma_start3A_46 = arith.constant 0 : i32
      %dma_start3A_47 = arith.constant 0 : i32
      %dma_start3A_48 = tpu.memref_slice %arg8[%dma_start3A_46, %dma_start3A_47] : memref<128x128xf32, #tpu.memory_space<vmem>> -> memref<128x128xf32, #tpu.memory_space<vmem>>
      tpu.enqueue_dma source(%dma_start3A_48 : memref<128x128xf32, #tpu.memory_space<vmem>>) target(%dma_start3A_45 : memref<128x128xf32, #tpu.memory_space<vmem_shared>>) target_semaphore(%run_scoped3A : memref<!tpu.dma_semaphore, #tpu.memory_space<semaphore_mem>>)
      %dma_wait3A = arith.constant 0 : i32
      %dma_wait3A_49 = arith.constant 0 : i32
      %dma_wait3A_50 = tpu.memref_slice %arg8[%dma_wait3A, %dma_wait3A_49] : memref<128x128xf32, #tpu.memory_space<vmem>> -> memref<128x128xf32, #tpu.memory_space<vmem>>
      %dma_wait3A_51 = arith.constant 0 : i32
      %dma_wait3A_52 = tpu.memref_slice %arg9[%add3A_9, %dma_wait3A_51] : memref<10112x128xf32, #tpu.memory_space<vmem_shared>> -> memref<128x128xf32, #tpu.memory_space<vmem_shared>>
      %dma_wait3A_53 = arith.constant 0 : i32
      %dma_wait3A_54 = tpu.memref_slice %arg9[%add3A_9, %dma_wait3A_53] : memref<10112x128xf32, #tpu.memory_space<vmem_shared>> -> memref<128x128xf32, #tpu.memory_space<vmem_shared>>
      %dma_wait3A_55 = arith.constant 0 : i32
      %dma_wait3A_56 = arith.constant 0 : i32
      %dma_wait3A_57 = tpu.memref_slice %arg8[%dma_wait3A_55, %dma_wait3A_56] : memref<128x128xf32, #tpu.memory_space<vmem>> -> memref<128x128xf32, #tpu.memory_space<vmem>>
      tpu.wait_dma2 semaphore(%run_scoped3A : memref<!tpu.dma_semaphore, #tpu.memory_space<semaphore_mem>>) src(%dma_wait3A_57 : memref<128x128xf32, #tpu.memory_space<vmem>>) dst(%dma_wait3A_54 : memref<128x128xf32, #tpu.memory_space<vmem_shared>>)
      tpu.yield
    }) : () -> ()
    %mul3A_10 = arith.constant 632 : i32
    %mul3A_11 = arith.muli %arg1, %mul3A_10 : i32
    %add3A_12 = arith.constant 128 : i32
    %add3A_13 = arith.addi %mul3A_11, %add3A_12 : i32
    "tpu.region"() ({
      %run_scoped3A = tpu.sem_alloc : memref<!tpu.dma_semaphore, #tpu.memory_space<semaphore_mem>>
      %dma_start3A = arith.constant 0 : i32
      %dma_start3A_40 = arith.constant 0 : i32
      %dma_start3A_41 = tpu.memref_slice %arg8[%dma_start3A, %dma_start3A_40] : memref<128x128xf32, #tpu.memory_space<vmem>> -> memref<128x128xf32, #tpu.memory_space<vmem>>
      %dma_start3A_42 = arith.constant 0 : i32
      %dma_start3A_43 = tpu.memref_slice %arg9[%add3A_13, %dma_start3A_42] : memref<10112x128xf32, #tpu.memory_space<vmem_shared>> -> memref<128x128xf32, #tpu.memory_space<vmem_shared>>
      %dma_start3A_44 = arith.constant 0 : i32
      %dma_start3A_45 = tpu.memref_slice %arg9[%add3A_13, %dma_start3A_44] : memref<10112x128xf32, #tpu.memory_space<vmem_shared>> -> memref<128x128xf32, #tpu.memory_space<vmem_shared>>
      %dma_start3A_46 = arith.constant 0 : i32
      %dma_start3A_47 = arith.constant 0 : i32
      %dma_start3A_48 = tpu.memref_slice %arg8[%dma_start3A_46, %dma_start3A_47] : memref<128x128xf32, #tpu.memory_space<vmem>> -> memref<128x128xf32, #tpu.memory_space<vmem>>
      tpu.enqueue_dma source(%dma_start3A_48 : memref<128x128xf32, #tpu.memory_space<vmem>>) target(%dma_start3A_45 : memref<128x128xf32, #tpu.memory_space<vmem_shared>>) target_semaphore(%run_scoped3A : memref<!tpu.dma_semaphore, #tpu.memory_space<semaphore_mem>>)
      %dma_wait3A = arith.constant 0 : i32
      %dma_wait3A_49 = arith.constant 0 : i32
      %dma_wait3A_50 = tpu.memref_slice %arg8[%dma_wait3A, %dma_wait3A_49] : memref<128x128xf32, #tpu.memory_space<vmem>> -> memref<128x128xf32, #tpu.memory_space<vmem>>
      %dma_wait3A_51 = arith.constant 0 : i32
      %dma_wait3A_52 = tpu.memref_slice %arg9[%add3A_13, %dma_wait3A_51] : memref<10112x128xf32, #tpu.memory_space<vmem_shared>> -> memref<128x128xf32, #tpu.memory_space<vmem_shared>>
      %dma_wait3A_53 = arith.constant 0 : i32
      %dma_wait3A_54 = tpu.memref_slice %arg9[%add3A_13, %dma_wait3A_53] : memref<10112x128xf32, #tpu.memory_space<vmem_shared>> -> memref<128x128xf32, #tpu.memory_space<vmem_shared>>
      %dma_wait3A_55 = arith.constant 0 : i32
      %dma_wait3A_56 = arith.constant 0 : i32
      %dma_wait3A_57 = tpu.memref_slice %arg8[%dma_wait3A_55, %dma_wait3A_56] : memref<128x128xf32, #tpu.memory_space<vmem>> -> memref<128x128xf32, #tpu.memory_space<vmem>>
      tpu.wait_dma2 semaphore(%run_scoped3A : memref<!tpu.dma_semaphore, #tpu.memory_space<semaphore_mem>>) src(%dma_wait3A_57 : memref<128x128xf32, #tpu.memory_space<vmem>>) dst(%dma_wait3A_54 : memref<128x128xf32, #tpu.memory_space<vmem_shared>>)
      tpu.yield
    }) : () -> ()
    %mul3A_14 = arith.constant 632 : i32
    %mul3A_15 = arith.muli %arg1, %mul3A_14 : i32
    %add3A_16 = arith.constant 256 : i32
    %add3A_17 = arith.addi %mul3A_15, %add3A_16 : i32
    "tpu.region"() ({
      %run_scoped3A = tpu.sem_alloc : memref<!tpu.dma_semaphore, #tpu.memory_space<semaphore_mem>>
      %dma_start3A = arith.constant 0 : i32
      %dma_start3A_40 = arith.constant 0 : i32
      %dma_start3A_41 = tpu.memref_slice %arg8[%dma_start3A, %dma_start3A_40] : memref<128x128xf32, #tpu.memory_space<vmem>> -> memref<128x128xf32, #tpu.memory_space<vmem>>
      %dma_start3A_42 = arith.constant 0 : i32
      %dma_start3A_43 = tpu.memref_slice %arg9[%add3A_17, %dma_start3A_42] : memref<10112x128xf32, #tpu.memory_space<vmem_shared>> -> memref<128x128xf32, #tpu.memory_space<vmem_shared>>
      %dma_start3A_44 = arith.constant 0 : i32
      %dma_start3A_45 = tpu.memref_slice %arg9[%add3A_17, %dma_start3A_44] : memref<10112x128xf32, #tpu.memory_space<vmem_shared>> -> memref<128x128xf32, #tpu.memory_space<vmem_shared>>
      %dma_start3A_46 = arith.constant 0 : i32
      %dma_start3A_47 = arith.constant 0 : i32
      %dma_start3A_48 = tpu.memref_slice %arg8[%dma_start3A_46, %dma_start3A_47] : memref<128x128xf32, #tpu.memory_space<vmem>> -> memref<128x128xf32, #tpu.memory_space<vmem>>
      tpu.enqueue_dma source(%dma_start3A_48 : memref<128x128xf32, #tpu.memory_space<vmem>>) target(%dma_start3A_45 : memref<128x128xf32, #tpu.memory_space<vmem_shared>>) target_semaphore(%run_scoped3A : memref<!tpu.dma_semaphore, #tpu.memory_space<semaphore_mem>>)
      %dma_wait3A = arith.constant 0 : i32
      %dma_wait3A_49 = arith.constant 0 : i32
      %dma_wait3A_50 = tpu.memref_slice %arg8[%dma_wait3A, %dma_wait3A_49] : memref<128x128xf32, #tpu.memory_space<vmem>> -> memref<128x128xf32, #tpu.memory_space<vmem>>
      %dma_wait3A_51 = arith.constant 0 : i32
      %dma_wait3A_52 = tpu.memref_slice %arg9[%add3A_17, %dma_wait3A_51] : memref<10112x128xf32, #tpu.memory_space<vmem_shared>> -> memref<128x128xf32, #tpu.memory_space<vmem_shared>>
      %dma_wait3A_53 = arith.constant 0 : i32
      %dma_wait3A_54 = tpu.memref_slice %arg9[%add3A_17, %dma_wait3A_53] : memref<10112x128xf32, #tpu.memory_space<vmem_shared>> -> memref<128x128xf32, #tpu.memory_space<vmem_shared>>
      %dma_wait3A_55 = arith.constant 0 : i32
      %dma_wait3A_56 = arith.constant 0 : i32
      %dma_wait3A_57 = tpu.memref_slice %arg8[%dma_wait3A_55, %dma_wait3A_56] : memref<128x128xf32, #tpu.memory_space<vmem>> -> memref<128x128xf32, #tpu.memory_space<vmem>>
      tpu.wait_dma2 semaphore(%run_scoped3A : memref<!tpu.dma_semaphore, #tpu.memory_space<semaphore_mem>>) src(%dma_wait3A_57 : memref<128x128xf32, #tpu.memory_space<vmem>>) dst(%dma_wait3A_54 : memref<128x128xf32, #tpu.memory_space<vmem_shared>>)
      tpu.yield
    }) : () -> ()
    %mul3A_18 = arith.constant 632 : i32
    %mul3A_19 = arith.muli %arg1, %mul3A_18 : i32
    %add3A_20 = arith.constant 384 : i32
    %add3A_21 = arith.addi %mul3A_19, %add3A_20 : i32
    "tpu.region"() ({
      %run_scoped3A = tpu.sem_alloc : memref<!tpu.dma_semaphore, #tpu.memory_space<semaphore_mem>>
      %dma_start3A = arith.constant 0 : i32
      %dma_start3A_40 = arith.constant 0 : i32
      %dma_start3A_41 = tpu.memref_slice %arg8[%dma_start3A, %dma_start3A_40] : memref<128x128xf32, #tpu.memory_space<vmem>> -> memref<128x128xf32, #tpu.memory_space<vmem>>
      %dma_start3A_42 = arith.constant 0 : i32
      %dma_start3A_43 = tpu.memref_slice %arg9[%add3A_21, %dma_start3A_42] : memref<10112x128xf32, #tpu.memory_space<vmem_shared>> -> memref<128x128xf32, #tpu.memory_space<vmem_shared>>
      %dma_start3A_44 = arith.constant 0 : i32
      %dma_start3A_45 = tpu.memref_slice %arg9[%add3A_21, %dma_start3A_44] : memref<10112x128xf32, #tpu.memory_space<vmem_shared>> -> memref<128x128xf32, #tpu.memory_space<vmem_shared>>
      %dma_start3A_46 = arith.constant 0 : i32
      %dma_start3A_47 = arith.constant 0 : i32
      %dma_start3A_48 = tpu.memref_slice %arg8[%dma_start3A_46, %dma_start3A_47] : memref<128x128xf32, #tpu.memory_space<vmem>> -> memref<128x128xf32, #tpu.memory_space<vmem>>
      tpu.enqueue_dma source(%dma_start3A_48 : memref<128x128xf32, #tpu.memory_space<vmem>>) target(%dma_start3A_45 : memref<128x128xf32, #tpu.memory_space<vmem_shared>>) target_semaphore(%run_scoped3A : memref<!tpu.dma_semaphore, #tpu.memory_space<semaphore_mem>>)
      %dma_wait3A = arith.constant 0 : i32
      %dma_wait3A_49 = arith.constant 0 : i32
      %dma_wait3A_50 = tpu.memref_slice %arg8[%dma_wait3A, %dma_wait3A_49] : memref<128x128xf32, #tpu.memory_space<vmem>> -> memref<128x128xf32, #tpu.memory_space<vmem>>
      %dma_wait3A_51 = arith.constant 0 : i32
      %dma_wait3A_52 = tpu.memref_slice %arg9[%add3A_21, %dma_wait3A_51] : memref<10112x128xf32, #tpu.memory_space<vmem_shared>> -> memref<128x128xf32, #tpu.memory_space<vmem_shared>>
      %dma_wait3A_53 = arith.constant 0 : i32
      %dma_wait3A_54 = tpu.memref_slice %arg9[%add3A_21, %dma_wait3A_53] : memref<10112x128xf32, #tpu.memory_space<vmem_shared>> -> memref<128x128xf32, #tpu.memory_space<vmem_shared>>
      %dma_wait3A_55 = arith.constant 0 : i32
      %dma_wait3A_56 = arith.constant 0 : i32
      %dma_wait3A_57 = tpu.memref_slice %arg8[%dma_wait3A_55, %dma_wait3A_56] : memref<128x128xf32, #tpu.memory_space<vmem>> -> memref<128x128xf32, #tpu.memory_space<vmem>>
      tpu.wait_dma2 semaphore(%run_scoped3A : memref<!tpu.dma_semaphore, #tpu.memory_space<semaphore_mem>>) src(%dma_wait3A_57 : memref<128x128xf32, #tpu.memory_space<vmem>>) dst(%dma_wait3A_54 : memref<128x128xf32, #tpu.memory_space<vmem_shared>>)
      tpu.yield
    }) : () -> ()
    %mul3A_22 = arith.constant 632 : i32
    %mul3A_23 = arith.muli %arg1, %mul3A_22 : i32
    %add3A_24 = arith.constant 512 : i32
    %add3A_25 = arith.addi %mul3A_23, %add3A_24 : i32
    "tpu.region"() ({
      %run_scoped3A = tpu.sem_alloc : memref<!tpu.dma_semaphore, #tpu.memory_space<semaphore_mem>>
      %dma_start3A = arith.constant 0 : i32
      %dma_start3A_40 = arith.constant 0 : i32
      %dma_start3A_41 = tpu.memref_slice %arg8[%dma_start3A, %dma_start3A_40] : memref<128x128xf32, #tpu.memory_space<vmem>> -> memref<120x128xf32, #tpu.memory_space<vmem>>
      %dma_start3A_42 = arith.constant 0 : i32
      %dma_start3A_43 = tpu.memref_slice %arg9[%add3A_25, %dma_start3A_42] : memref<10112x128xf32, #tpu.memory_space<vmem_shared>> -> memref<120x128xf32, #tpu.memory_space<vmem_shared>>
      %dma_start3A_44 = arith.constant 0 : i32
      %dma_start3A_45 = tpu.memref_slice %arg9[%add3A_25, %dma_start3A_44] : memref<10112x128xf32, #tpu.memory_space<vmem_shared>> -> memref<120x128xf32, #tpu.memory_space<vmem_shared>>
      %dma_start3A_46 = arith.constant 0 : i32
      %dma_start3A_47 = arith.constant 0 : i32
      %dma_start3A_48 = tpu.memref_slice %arg8[%dma_start3A_46, %dma_start3A_47] : memref<128x128xf32, #tpu.memory_space<vmem>> -> memref<120x128xf32, #tpu.memory_space<vmem>>
      tpu.enqueue_dma source(%dma_start3A_48 : memref<120x128xf32, #tpu.memory_space<vmem>>) target(%dma_start3A_45 : memref<120x128xf32, #tpu.memory_space<vmem_shared>>) target_semaphore(%run_scoped3A : memref<!tpu.dma_semaphore, #tpu.memory_space<semaphore_mem>>)
      %dma_wait3A = arith.constant 0 : i32
      %dma_wait3A_49 = arith.constant 0 : i32
      %dma_wait3A_50 = tpu.memref_slice %arg8[%dma_wait3A, %dma_wait3A_49] : memref<128x128xf32, #tpu.memory_space<vmem>> -> memref<120x128xf32, #tpu.memory_space<vmem>>
      %dma_wait3A_51 = arith.constant 0 : i32
      %dma_wait3A_52 = tpu.memref_slice %arg9[%add3A_25, %dma_wait3A_51] : memref<10112x128xf32, #tpu.memory_space<vmem_shared>> -> memref<120x128xf32, #tpu.memory_space<vmem_shared>>
      %dma_wait3A_53 = arith.constant 0 : i32
      %dma_wait3A_54 = tpu.memref_slice %arg9[%add3A_25, %dma_wait3A_53] : memref<10112x128xf32, #tpu.memory_space<vmem_shared>> -> memref<120x128xf32, #tpu.memory_space<vmem_shared>>
      %dma_wait3A_55 = arith.constant 0 : i32
      %dma_wait3A_56 = arith.constant 0 : i32
      %dma_wait3A_57 = tpu.memref_slice %arg8[%dma_wait3A_55, %dma_wait3A_56] : memref<128x128xf32, #tpu.memory_space<vmem>> -> memref<120x128xf32, #tpu.memory_space<vmem>>
      tpu.wait_dma2 semaphore(%run_scoped3A : memref<!tpu.dma_semaphore, #tpu.memory_space<semaphore_mem>>) src(%dma_wait3A_57 : memref<120x128xf32, #tpu.memory_space<vmem>>) dst(%dma_wait3A_54 : memref<120x128xf32, #tpu.memory_space<vmem_shared>>)
      tpu.yield
    }) : () -> ()
    "tpu.region"() ({
      %run_scoped3A = tpu.sem_alloc : memref<!tpu.dma_semaphore, #tpu.memory_space<semaphore_mem>>
      %dma_start3A = arith.constant 0 : i32
      %dma_start3A_40 = arith.constant 0 : i32
      %dma_start3A_41 = tpu.memref_slice %arg3[%add3A, %dma_start3A, %dma_start3A_40] : memref<32x79x128xi32, #tpu.memory_space<hbm>> -> memref<1x79x128xi32, #tpu.memory_space<hbm>>
      %dma_start3A_42 = tpu.memref_squeeze %dma_start3A_41 : memref<1x79x128xi32, #tpu.memory_space<hbm>> -> memref<79x128xi32, #tpu.memory_space<hbm>>
      %dma_start3A_43 = arith.constant 0 : i32
      %dma_start3A_44 = arith.constant 0 : i32
      %dma_start3A_45 = tpu.memref_slice %arg3[%add3A, %dma_start3A_43, %dma_start3A_44] : memref<32x79x128xi32, #tpu.memory_space<hbm>> -> memref<1x79x128xi32, #tpu.memory_space<hbm>>
      %dma_start3A_46 = tpu.memref_squeeze %dma_start3A_45 : memref<1x79x128xi32, #tpu.memory_space<hbm>> -> memref<79x128xi32, #tpu.memory_space<hbm>>
      tpu.enqueue_dma source(%dma_start3A_46 : memref<79x128xi32, #tpu.memory_space<hbm>>) target(%arg6 : memref<79x128xi32, #tpu.memory_space<vmem>>) target_semaphore(%run_scoped3A : memref<!tpu.dma_semaphore, #tpu.memory_space<semaphore_mem>>)
      %dma_wait3A = arith.constant 0 : i32
      %dma_wait3A_47 = arith.constant 0 : i32
      %dma_wait3A_48 = tpu.memref_slice %arg3[%add3A, %dma_wait3A, %dma_wait3A_47] : memref<32x79x128xi32, #tpu.memory_space<hbm>> -> memref<1x79x128xi32, #tpu.memory_space<hbm>>
      %dma_wait3A_49 = tpu.memref_squeeze %dma_wait3A_48 : memref<1x79x128xi32, #tpu.memory_space<hbm>> -> memref<79x128xi32, #tpu.memory_space<hbm>>
      %dma_wait3A_50 = arith.constant 0 : i32
      %dma_wait3A_51 = arith.constant 0 : i32
      %dma_wait3A_52 = tpu.memref_slice %arg3[%add3A, %dma_wait3A_50, %dma_wait3A_51] : memref<32x79x128xi32, #tpu.memory_space<hbm>> -> memref<1x79x128xi32, #tpu.memory_space<hbm>>
      %dma_wait3A_53 = tpu.memref_squeeze %dma_wait3A_52 : memref<1x79x128xi32, #tpu.memory_space<hbm>> -> memref<79x128xi32, #tpu.memory_space<hbm>>
      tpu.wait_dma2 semaphore(%run_scoped3A : memref<!tpu.dma_semaphore, #tpu.memory_space<semaphore_mem>>) src(%dma_wait3A_53 : memref<79x128xi32, #tpu.memory_space<hbm>>) dst(%arg6 : memref<79x128xi32, #tpu.memory_space<vmem>>)
      tpu.yield
    }) : () -> ()
    "tpu.region"() ({
      %run_scoped3A = tpu.sem_alloc : memref<!tpu.dma_semaphore, #tpu.memory_space<semaphore_mem>>
      %dma_start3A = arith.constant 0 : i32
      %dma_start3A_40 = arith.constant 0 : i32
      %dma_start3A_41 = tpu.memref_slice %arg4[%add3A, %dma_start3A, %dma_start3A_40] : memref<32x79x128xi32, #tpu.memory_space<hbm>> -> memref<1x79x128xi32, #tpu.memory_space<hbm>>
      %dma_start3A_42 = tpu.memref_squeeze %dma_start3A_41 : memref<1x79x128xi32, #tpu.memory_space<hbm>> -> memref<79x128xi32, #tpu.memory_space<hbm>>
      %dma_start3A_43 = arith.constant 0 : i32
      %dma_start3A_44 = arith.constant 0 : i32
      %dma_start3A_45 = tpu.memref_slice %arg4[%add3A, %dma_start3A_43, %dma_start3A_44] : memref<32x79x128xi32, #tpu.memory_space<hbm>> -> memref<1x79x128xi32, #tpu.memory_space<hbm>>
      %dma_start3A_46 = tpu.memref_squeeze %dma_start3A_45 : memref<1x79x128xi32, #tpu.memory_space<hbm>> -> memref<79x128xi32, #tpu.memory_space<hbm>>
      tpu.enqueue_dma source(%dma_start3A_46 : memref<79x128xi32, #tpu.memory_space<hbm>>) target(%arg7 : memref<79x128xi32, #tpu.memory_space<vmem>>) target_semaphore(%run_scoped3A : memref<!tpu.dma_semaphore, #tpu.memory_space<semaphore_mem>>)
      %dma_wait3A = arith.constant 0 : i32
      %dma_wait3A_47 = arith.constant 0 : i32
      %dma_wait3A_48 = tpu.memref_slice %arg4[%add3A, %dma_wait3A, %dma_wait3A_47] : memref<32x79x128xi32, #tpu.memory_space<hbm>> -> memref<1x79x128xi32, #tpu.memory_space<hbm>>
      %dma_wait3A_49 = tpu.memref_squeeze %dma_wait3A_48 : memref<1x79x128xi32, #tpu.memory_space<hbm>> -> memref<79x128xi32, #tpu.memory_space<hbm>>
      %dma_wait3A_50 = arith.constant 0 : i32
      %dma_wait3A_51 = arith.constant 0 : i32
      %dma_wait3A_52 = tpu.memref_slice %arg4[%add3A, %dma_wait3A_50, %dma_wait3A_51] : memref<32x79x128xi32, #tpu.memory_space<hbm>> -> memref<1x79x128xi32, #tpu.memory_space<hbm>>
      %dma_wait3A_53 = tpu.memref_squeeze %dma_wait3A_52 : memref<1x79x128xi32, #tpu.memory_space<hbm>> -> memref<79x128xi32, #tpu.memory_space<hbm>>
      tpu.wait_dma2 semaphore(%run_scoped3A : memref<!tpu.dma_semaphore, #tpu.memory_space<semaphore_mem>>) src(%dma_wait3A_53 : memref<79x128xi32, #tpu.memory_space<hbm>>) dst(%arg7 : memref<79x128xi32, #tpu.memory_space<vmem>>)
      tpu.yield
    }) : () -> ()
    %barrier3A = arith.constant 0 : index
    tpu.barrier barrier_id(%barrier3A)
    %scan3A_26 = arith.constant 0 : i32
    %scan3A_27 = arith.constant 0 : i32
    %scan3A_28 = arith.constant 79 : i32
    %scan3A_29 = arith.addi %scan3A_27, %scan3A_28 : i32
    %scan3A_30 = arith.constant 1 : i32
    scf.for %scan3A_40 = %scan3A_27 to %scan3A_29 step %scan3A_30  : i32 {
      %dma_start3A = arith.constant 0 : i32
      %dma_start3A_41 = tpu.memref_slice %arg6[%scan3A_40, %dma_start3A] : memref<79x128xi32, #tpu.memory_space<vmem>> -> memref<1x128xi32, #tpu.memory_space<vmem>>
      %dma_start3A_42 = tpu.memref_squeeze %dma_start3A_41 : memref<1x128xi32, #tpu.memory_space<vmem>> -> memref<128xi32, #tpu.memory_space<vmem>>
      %dma_start3A_43 = arith.constant 0 : i32
      %dma_start3A_44 = arith.constant 0 : i32
      %dma_start3A_45 = tpu.memref_slice %arg2[%dma_start3A_43, %dma_start3A_44] : memref<10112x128xf32, #tpu.memory_space<hbm>> -> memref<10112x128xf32, #tpu.memory_space<hbm>>
      tpu.enqueue_indirect_dma source(%dma_start3A_45 : memref<10112x128xf32, #tpu.memory_space<hbm>>) target(%arg8 : memref<128x128xf32, #tpu.memory_space<vmem>>) offsets(%dma_start3A_42 : memref<128xi32, #tpu.memory_space<vmem>>) semaphore(%arg10 : memref<!tpu.dma_semaphore, #tpu.memory_space<semaphore_mem>>)
      %dma_wait3A = arith.constant 0 : i32
      %dma_wait3A_46 = tpu.memref_slice %arg6[%scan3A_40, %dma_wait3A] : memref<79x128xi32, #tpu.memory_space<vmem>> -> memref<1x128xi32, #tpu.memory_space<vmem>>
      %dma_wait3A_47 = tpu.memref_squeeze %dma_wait3A_46 : memref<1x128xi32, #tpu.memory_space<vmem>> -> memref<128xi32, #tpu.memory_space<vmem>>
      %dma_wait3A_48 = arith.constant 0 : i32
      %dma_wait3A_49 = arith.constant 0 : i32
      %dma_wait3A_50 = tpu.memref_slice %arg2[%dma_wait3A_48, %dma_wait3A_49] : memref<10112x128xf32, #tpu.memory_space<hbm>> -> memref<10112x128xf32, #tpu.memory_space<hbm>>
      tpu.wait_indirect_dma semaphore(%arg10 : memref<!tpu.dma_semaphore, #tpu.memory_space<semaphore_mem>>) src(%dma_wait3A_50 : memref<10112x128xf32, #tpu.memory_space<hbm>>) dst(%arg8 : memref<128x128xf32, #tpu.memory_space<vmem>>)
      "tpu.region"() ({
        %run_scoped3A = tpu.sem_alloc : memref<!tpu.dma_semaphore, #tpu.memory_space<semaphore_mem>>
        %dma_start3A_51 = arith.constant 0 : i32
        %dma_start3A_52 = tpu.memref_slice %arg7[%scan3A_40, %dma_start3A_51] : memref<79x128xi32, #tpu.memory_space<vmem>> -> memref<1x128xi32, #tpu.memory_space<vmem>>
        %dma_start3A_53 = tpu.memref_squeeze %dma_start3A_52 : memref<1x128xi32, #tpu.memory_space<vmem>> -> memref<128xi32, #tpu.memory_space<vmem>>
        %dma_start3A_54 = arith.constant 0 : i32
        %dma_start3A_55 = arith.constant 0 : i32
        %dma_start3A_56 = tpu.memref_slice %arg9[%dma_start3A_54, %dma_start3A_55] : memref<10112x128xf32, #tpu.memory_space<vmem_shared>> -> memref<10112x128xf32, #tpu.memory_space<vmem_shared>>
        tpu.enqueue_indirect_dma source(%arg8 : memref<128x128xf32, #tpu.memory_space<vmem>>) target(%dma_start3A_56 : memref<10112x128xf32, #tpu.memory_space<vmem_shared>>) offsets(%dma_start3A_53 : memref<128xi32, #tpu.memory_space<vmem>>) semaphore(%run_scoped3A : memref<!tpu.dma_semaphore, #tpu.memory_space<semaphore_mem>>) {add = true}
        %dma_wait3A_57 = arith.constant 0 : i32
        %dma_wait3A_58 = tpu.memref_slice %arg7[%scan3A_40, %dma_wait3A_57] : memref<79x128xi32, #tpu.memory_space<vmem>> -> memref<1x128xi32, #tpu.memory_space<vmem>>
        %dma_wait3A_59 = tpu.memref_squeeze %dma_wait3A_58 : memref<1x128xi32, #tpu.memory_space<vmem>> -> memref<128xi32, #tpu.memory_space<vmem>>
        %dma_wait3A_60 = arith.constant 0 : i32
        %dma_wait3A_61 = arith.constant 0 : i32
        %dma_wait3A_62 = tpu.memref_slice %arg9[%dma_wait3A_60, %dma_wait3A_61] : memref<10112x128xf32, #tpu.memory_space<vmem_shared>> -> memref<10112x128xf32, #tpu.memory_space<vmem_shared>>
        tpu.wait_indirect_dma semaphore(%run_scoped3A : memref<!tpu.dma_semaphore, #tpu.memory_space<semaphore_mem>>) src(%arg8 : memref<128x128xf32, #tpu.memory_space<vmem>>) dst(%dma_wait3A_62 : memref<10112x128xf32, #tpu.memory_space<vmem_shared>>)
        tpu.yield
      }) : () -> ()
    }
    %scan3A_31 = arith.constant 79 : i32
    %barrier3A_32 = arith.constant 0 : index
    tpu.barrier barrier_id(%barrier3A_32)
    %mul3A_33 = arith.constant 632 : i32
    %mul3A_34 = arith.muli %arg1, %mul3A_33 : i32
    %mul3A_35 = arith.constant 10112 : i32
    %mul3A_36 = arith.muli %arg0, %mul3A_35 : i32
    %mul3A_37 = arith.constant 632 : i32
    %mul3A_38 = arith.muli %arg1, %mul3A_37 : i32
    %add3A_39 = arith.addi %mul3A_36, %mul3A_38 : i32
    "tpu.region"() ({
      %run_scoped3A = tpu.sem_alloc : memref<!tpu.dma_semaphore, #tpu.memory_space<semaphore_mem>>
      %dma_start3A = arith.constant 0 : i32
      %dma_start3A_40 = tpu.memref_slice %arg5[%add3A_39, %dma_start3A] : memref<20224x128xf32, #tpu.memory_space<hbm>> -> memref<632x128xf32, #tpu.memory_space<hbm>>
      %dma_start3A_41 = arith.constant 0 : i32
      %dma_start3A_42 = tpu.memref_slice %arg9[%mul3A_34, %dma_start3A_41] : memref<10112x128xf32, #tpu.memory_space<vmem_shared>> -> memref<632x128xf32, #tpu.memory_space<vmem_shared>>
      tpu.enqueue_dma source(%dma_start3A_42 : memref<632x128xf32, #tpu.memory_space<vmem_shared>>) target(%dma_start3A_40 : memref<632x128xf32, #tpu.memory_space<hbm>>) target_semaphore(%run_scoped3A : memref<!tpu.dma_semaphore, #tpu.memory_space<semaphore_mem>>)
      %dma_wait3A = arith.constant 0 : i32
      %dma_wait3A_43 = tpu.memref_slice %arg5[%add3A_39, %dma_wait3A] : memref<20224x128xf32, #tpu.memory_space<hbm>> -> memref<632x128xf32, #tpu.memory_space<hbm>>
      %dma_wait3A_44 = arith.constant 0 : i32
      %dma_wait3A_45 = tpu.memref_slice %arg9[%mul3A_34, %dma_wait3A_44] : memref<10112x128xf32, #tpu.memory_space<vmem_shared>> -> memref<632x128xf32, #tpu.memory_space<vmem_shared>>
      tpu.wait_dma2 semaphore(%run_scoped3A : memref<!tpu.dma_semaphore, #tpu.memory_space<semaphore_mem>>) src(%dma_wait3A_45 : memref<632x128xf32, #tpu.memory_space<vmem_shared>>) dst(%dma_wait3A_43 : memref<632x128xf32, #tpu.memory_space<hbm>>)
      tpu.yield
    }) : () -> ()
    return
  }
}

module attributes {stable_mosaic.version = 14 : i64} {
  func.func @body(%arg0: memref<2x10112x128xf32, #tpu.memory_space<vmem>>, %arg1: memref<10112x128xf32, #tpu.memory_space<vmem>>, %arg2: memref<128x128xf32, #tpu.memory_space<vmem>>, %arg3: memref<10112x1xf32, #tpu.memory_space<vmem>>, %arg4: memref<10112x128xf32, #tpu.memory_space<vmem>>) attributes {dimension_semantics = [], scalar_prefetch = 0 : i64, scratch_operands = 0 : i64, tpu.core_type = #tpu.core_type<tc>} {
    %get3A = arith.constant 0 : index
    %get3A_0 = arith.constant 0 : index
    %get3A_1 = arith.constant 0 : index
    %get3A_2 = vector.load %arg0[%get3A, %get3A_0, %get3A_1] : memref<2x10112x128xf32, #tpu.memory_space<vmem>>, vector<1x10112x128xf32>
    %get3A_3 = vector.shape_cast %get3A_2 : vector<1x10112x128xf32> to vector<10112x128xf32>
    %get3A_4 = arith.constant 1 : index
    %get3A_5 = arith.constant 0 : index
    %get3A_6 = arith.constant 0 : index
    %get3A_7 = vector.load %arg0[%get3A_4, %get3A_5, %get3A_6] : memref<2x10112x128xf32, #tpu.memory_space<vmem>>, vector<1x10112x128xf32>
    %get3A_8 = vector.shape_cast %get3A_7 : vector<1x10112x128xf32> to vector<10112x128xf32>
    %add3A = arith.addf %get3A_3, %get3A_8 : vector<10112x128xf32>
    %add3A_9 = arith.constant 1.000000e+00 : f32
    %add3A_10 = vector.broadcast %add3A_9 : f32 to vector<10112x128xf32>
    %add3A_11 = arith.addf %add3A, %add3A_10 : vector<10112x128xf32>
    %rsqrt3A = math.rsqrt %add3A_11 : vector<10112x128xf32>
    %slice3A = vector.extract_strided_slice %rsqrt3A {offsets = [0, 0], sizes = [10112, 1], strides = [1, 1]} : vector<10112x128xf32> to vector<10112x1xf32>
    %get3A_12 = arith.constant 0 : index
    %get3A_13 = arith.constant 0 : index
    %get3A_14 = vector.load %arg1[%get3A_12, %get3A_13] : memref<10112x128xf32, #tpu.memory_space<vmem>>, vector<10112x128xf32>
    %get3A_15 = arith.constant 0 : index
    %get3A_16 = arith.constant 0 : index
    %get3A_17 = vector.load %arg2[%get3A_15, %get3A_16] : memref<128x128xf32, #tpu.memory_space<vmem>>, vector<128x128xf32>
    %dot_general3A = arith.constant dense<0.000000e+00> : vector<10112x128xf32>
    %dot_general3A_18 = tpu.matmul %get3A_14, %get3A_17, %dot_general3A {dimension_numbers = #tpu.dot_dimension_numbers<[1], [1], [0], [0], [0, 0, 1, 0], [], []>, transpose_lhs_hint = false} : vector<10112x128xf32>, vector<128x128xf32>, vector<10112x128xf32> -> vector<10112x128xf32>
    %swap3A = arith.constant 0 : index
    %swap3A_19 = arith.constant 0 : index
    %swap3A_20 = vector.load %arg3[%swap3A, %swap3A_19] : memref<10112x1xf32, #tpu.memory_space<vmem>>, vector<10112x1xf32>
    tpu.vector_store %arg3[%swap3A, %swap3A_19], %slice3A {strides = array<i32>} : memref<10112x1xf32, #tpu.memory_space<vmem>>, vector<10112x1xf32>,
    %mul3A = vector.broadcast %slice3A : vector<10112x1xf32> to vector<10112x128xf32>
    %mul3A_21 = arith.mulf %dot_general3A_18, %mul3A : vector<10112x128xf32>
    %swap3A_22 = arith.constant 0 : index
    %swap3A_23 = arith.constant 0 : index
    %swap3A_24 = vector.load %arg4[%swap3A_22, %swap3A_23] : memref<10112x128xf32, #tpu.memory_space<vmem>>, vector<10112x128xf32>
    tpu.vector_store %arg4[%swap3A_22, %swap3A_23], %mul3A_21 {strides = array<i32>} : memref<10112x128xf32, #tpu.memory_space<vmem>>, vector<10112x128xf32>,
    return
  }
}

module attributes {stable_mosaic.version = 14 : i64} {
  func.func @body(%arg0: memref<2x10112x128xf32, #tpu.memory_space<vmem>>, %arg1: memref<10112x128xf32, #tpu.memory_space<vmem>>, %arg2: memref<10112x1xf32, #tpu.memory_space<vmem>>, %arg3: memref<1x128xf32, #tpu.memory_space<vmem>>, %arg4: memref<1x128xf32, #tpu.memory_space<vmem>>, %arg5: memref<1x128xf32, #tpu.memory_space<vmem>>, %arg6: memref<128x128xf32, #tpu.memory_space<vmem>>, %arg7: memref<10112x128xf32, #tpu.memory_space<vmem>>) attributes {dimension_semantics = [], scalar_prefetch = 0 : i64, scratch_operands = 0 : i64, tpu.core_type = #tpu.core_type<tc>} {
    %get3A = arith.constant 0 : index
    %get3A_0 = arith.constant 0 : index
    %get3A_1 = arith.constant 0 : index
    %get3A_2 = vector.load %arg0[%get3A, %get3A_0, %get3A_1] : memref<2x10112x128xf32, #tpu.memory_space<vmem>>, vector<1x10112x128xf32>
    %get3A_3 = vector.shape_cast %get3A_2 : vector<1x10112x128xf32> to vector<10112x128xf32>
    %get3A_4 = arith.constant 1 : index
    %get3A_5 = arith.constant 0 : index
    %get3A_6 = arith.constant 0 : index
    %get3A_7 = vector.load %arg0[%get3A_4, %get3A_5, %get3A_6] : memref<2x10112x128xf32, #tpu.memory_space<vmem>>, vector<1x10112x128xf32>
    %get3A_8 = vector.shape_cast %get3A_7 : vector<1x10112x128xf32> to vector<10112x128xf32>
    %add3A = arith.addf %get3A_3, %get3A_8 : vector<10112x128xf32>
    %get3A_9 = arith.constant 0 : index
    %get3A_10 = arith.constant 0 : index
    %get3A_11 = vector.load %arg1[%get3A_9, %get3A_10] : memref<10112x128xf32, #tpu.memory_space<vmem>>, vector<10112x128xf32>
    %add3A_12 = arith.addf %add3A, %get3A_11 : vector<10112x128xf32>
    %get3A_13 = arith.constant 0 : index
    %get3A_14 = arith.constant 0 : index
    %get3A_15 = vector.load %arg2[%get3A_13, %get3A_14] : memref<10112x1xf32, #tpu.memory_space<vmem>>, vector<10112x1xf32>
    %mul3A = vector.broadcast %get3A_15 : vector<10112x1xf32> to vector<10112x128xf32>
    %mul3A_16 = arith.mulf %add3A_12, %mul3A : vector<10112x128xf32>
    %get3A_17 = arith.constant 0 : index
    %get3A_18 = arith.constant 0 : index
    %get3A_19 = vector.load %arg3[%get3A_17, %get3A_18] : memref<1x128xf32, #tpu.memory_space<vmem>>, vector<1x128xf32>
    %add3A_20 = vector.broadcast %get3A_19 : vector<1x128xf32> to vector<10112x128xf32>
    %add3A_21 = arith.addf %mul3A_16, %add3A_20 : vector<10112x128xf32>
    %slice3A = vector.extract_strided_slice %add3A_21 {offsets = [0, 0], sizes = [10000, 128], strides = [1, 1]} : vector<10112x128xf32> to vector<10000x128xf32>
    %reduce_sum3A = arith.constant dense<0.000000e+00> : vector<128xf32>
    %reduce_sum3A_22 = vector.multi_reduction <add>, %slice3A, %reduce_sum3A [0] : vector<10000x128xf32> to vector<128xf32>
    %broadcast_in_dim3A = vector.shape_cast %reduce_sum3A_22 : vector<128xf32> to vector<1x128xf32>
    %div3A = arith.constant 1.000000e+04 : f32
    %div3A_23 = vector.broadcast %div3A : f32 to vector<1x128xf32>
    %div3A_24 = arith.divf %broadcast_in_dim3A, %div3A_23 : vector<1x128xf32>
    %sub3A = vector.broadcast %div3A_24 : vector<1x128xf32> to vector<10000x128xf32>
    %sub3A_25 = arith.subf %slice3A, %sub3A : vector<10000x128xf32>
    %mul3A_26 = arith.mulf %sub3A_25, %sub3A_25 : vector<10000x128xf32>
    %reduce_sum3A_27 = arith.constant dense<0.000000e+00> : vector<128xf32>
    %reduce_sum3A_28 = vector.multi_reduction <add>, %mul3A_26, %reduce_sum3A_27 [0] : vector<10000x128xf32> to vector<128xf32>
    %broadcast_in_dim3A_29 = vector.shape_cast %reduce_sum3A_28 : vector<128xf32> to vector<1x128xf32>
    %div3A_30 = arith.constant 1.000000e+04 : f32
    %div3A_31 = vector.broadcast %div3A_30 : f32 to vector<1x128xf32>
    %div3A_32 = arith.divf %broadcast_in_dim3A_29, %div3A_31 : vector<1x128xf32>
    %add3A_33 = arith.constant 9.99999974E-6 : f32
    %add3A_34 = vector.broadcast %add3A_33 : f32 to vector<1x128xf32>
    %add3A_35 = arith.addf %div3A_32, %add3A_34 : vector<1x128xf32>
    %rsqrt3A = math.rsqrt %add3A_35 : vector<1x128xf32>
    %mul3A_36 = vector.broadcast %rsqrt3A : vector<1x128xf32> to vector<10000x128xf32>
    %mul3A_37 = arith.mulf %sub3A_25, %mul3A_36 : vector<10000x128xf32>
    %get3A_38 = arith.constant 0 : index
    %get3A_39 = arith.constant 0 : index
    %get3A_40 = vector.load %arg4[%get3A_38, %get3A_39] : memref<1x128xf32, #tpu.memory_space<vmem>>, vector<1x128xf32>
    %mul3A_41 = vector.broadcast %get3A_40 : vector<1x128xf32> to vector<10000x128xf32>
    %mul3A_42 = arith.mulf %mul3A_37, %mul3A_41 : vector<10000x128xf32>
    %get3A_43 = arith.constant 0 : index
    %get3A_44 = arith.constant 0 : index
    %get3A_45 = vector.load %arg5[%get3A_43, %get3A_44] : memref<1x128xf32, #tpu.memory_space<vmem>>, vector<1x128xf32>
    %add3A_46 = vector.broadcast %get3A_45 : vector<1x128xf32> to vector<10000x128xf32>
    %add3A_47 = arith.addf %mul3A_42, %add3A_46 : vector<10000x128xf32>
    %max3A = arith.constant 0.000000e+00 : f32
    %max3A_48 = vector.broadcast %max3A : f32 to vector<10000x128xf32>
    %max3A_49 = arith.maximumf %add3A_47, %max3A_48 : vector<10000x128xf32>
    %broadcast_in_dim3A_50 = arith.constant 0.000000e+00 : f32
    %broadcast_in_dim3A_51 = vector.broadcast %broadcast_in_dim3A_50 : f32 to vector<112x128xf32>
    %concatenate3A = tpu.concatenate %max3A_49, %broadcast_in_dim3A_51 in 0 : vector<10000x128xf32>, vector<112x128xf32> -> vector<10112x128xf32>
    %get3A_52 = arith.constant 0 : index
    %get3A_53 = arith.constant 0 : index
    %get3A_54 = vector.load %arg6[%get3A_52, %get3A_53] : memref<128x128xf32, #tpu.memory_space<vmem>>, vector<128x128xf32>
    %dot_general3A = arith.constant dense<0.000000e+00> : vector<10112x128xf32>
    %dot_general3A_55 = tpu.matmul %concatenate3A, %get3A_54, %dot_general3A {dimension_numbers = #tpu.dot_dimension_numbers<[1], [1], [0], [0], [0, 0, 1, 0], [], []>, transpose_lhs_hint = false} : vector<10112x128xf32>, vector<128x128xf32>, vector<10112x128xf32> -> vector<10112x128xf32>
    %get3A_56 = arith.constant 0 : index
    %get3A_57 = arith.constant 0 : index
    %get3A_58 = vector.load %arg2[%get3A_56, %get3A_57] : memref<10112x1xf32, #tpu.memory_space<vmem>>, vector<10112x1xf32>
    %mul3A_59 = vector.broadcast %get3A_58 : vector<10112x1xf32> to vector<10112x128xf32>
    %mul3A_60 = arith.mulf %dot_general3A_55, %mul3A_59 : vector<10112x128xf32>
    %swap3A = arith.constant 0 : index
    %swap3A_61 = arith.constant 0 : index
    %swap3A_62 = vector.load %arg7[%swap3A, %swap3A_61] : memref<10112x128xf32, #tpu.memory_space<vmem>>, vector<10112x128xf32>
    tpu.vector_store %arg7[%swap3A, %swap3A_61], %mul3A_60 {strides = array<i32>} : memref<10112x128xf32, #tpu.memory_space<vmem>>, vector<10112x128xf32>,
    return
  }
}

module attributes {stable_mosaic.version = 14 : i64} {
  func.func @body(%arg0: memref<2x10112x128xf32, #tpu.memory_space<vmem>>, %arg1: memref<10112x128xf32, #tpu.memory_space<vmem>>, %arg2: memref<10112x1xf32, #tpu.memory_space<vmem>>, %arg3: memref<1x128xf32, #tpu.memory_space<vmem>>, %arg4: memref<1x128xf32, #tpu.memory_space<vmem>>, %arg5: memref<1x128xf32, #tpu.memory_space<vmem>>, %arg6: memref<10000x128xf32, #tpu.memory_space<vmem>>) attributes {dimension_semantics = [], scalar_prefetch = 0 : i64, scratch_operands = 0 : i64, tpu.core_type = #tpu.core_type<tc>} {
    %get3A = arith.constant 0 : index
    %get3A_0 = arith.constant 0 : index
    %get3A_1 = arith.constant 0 : index
    %get3A_2 = vector.load %arg0[%get3A, %get3A_0, %get3A_1] : memref<2x10112x128xf32, #tpu.memory_space<vmem>>, vector<1x10112x128xf32>
    %get3A_3 = vector.shape_cast %get3A_2 : vector<1x10112x128xf32> to vector<10112x128xf32>
    %get3A_4 = arith.constant 1 : index
    %get3A_5 = arith.constant 0 : index
    %get3A_6 = arith.constant 0 : index
    %get3A_7 = vector.load %arg0[%get3A_4, %get3A_5, %get3A_6] : memref<2x10112x128xf32, #tpu.memory_space<vmem>>, vector<1x10112x128xf32>
    %get3A_8 = vector.shape_cast %get3A_7 : vector<1x10112x128xf32> to vector<10112x128xf32>
    %add3A = arith.addf %get3A_3, %get3A_8 : vector<10112x128xf32>
    %get3A_9 = arith.constant 0 : index
    %get3A_10 = arith.constant 0 : index
    %get3A_11 = vector.load %arg1[%get3A_9, %get3A_10] : memref<10112x128xf32, #tpu.memory_space<vmem>>, vector<10112x128xf32>
    %add3A_12 = arith.addf %add3A, %get3A_11 : vector<10112x128xf32>
    %get3A_13 = arith.constant 0 : index
    %get3A_14 = arith.constant 0 : index
    %get3A_15 = vector.load %arg2[%get3A_13, %get3A_14] : memref<10112x1xf32, #tpu.memory_space<vmem>>, vector<10112x1xf32>
    %mul3A = vector.broadcast %get3A_15 : vector<10112x1xf32> to vector<10112x128xf32>
    %mul3A_16 = arith.mulf %add3A_12, %mul3A : vector<10112x128xf32>
    %get3A_17 = arith.constant 0 : index
    %get3A_18 = arith.constant 0 : index
    %get3A_19 = vector.load %arg3[%get3A_17, %get3A_18] : memref<1x128xf32, #tpu.memory_space<vmem>>, vector<1x128xf32>
    %add3A_20 = vector.broadcast %get3A_19 : vector<1x128xf32> to vector<10112x128xf32>
    %add3A_21 = arith.addf %mul3A_16, %add3A_20 : vector<10112x128xf32>
    %slice3A = vector.extract_strided_slice %add3A_21 {offsets = [0, 0], sizes = [10000, 128], strides = [1, 1]} : vector<10112x128xf32> to vector<10000x128xf32>
    %reduce_sum3A = arith.constant dense<0.000000e+00> : vector<128xf32>
    %reduce_sum3A_22 = vector.multi_reduction <add>, %slice3A, %reduce_sum3A [0] : vector<10000x128xf32> to vector<128xf32>
    %broadcast_in_dim3A = vector.shape_cast %reduce_sum3A_22 : vector<128xf32> to vector<1x128xf32>
    %div3A = arith.constant 1.000000e+04 : f32
    %div3A_23 = vector.broadcast %div3A : f32 to vector<1x128xf32>
    %div3A_24 = arith.divf %broadcast_in_dim3A, %div3A_23 : vector<1x128xf32>
    %sub3A = vector.broadcast %div3A_24 : vector<1x128xf32> to vector<10000x128xf32>
    %sub3A_25 = arith.subf %slice3A, %sub3A : vector<10000x128xf32>
    %mul3A_26 = arith.mulf %sub3A_25, %sub3A_25 : vector<10000x128xf32>
    %reduce_sum3A_27 = arith.constant dense<0.000000e+00> : vector<128xf32>
    %reduce_sum3A_28 = vector.multi_reduction <add>, %mul3A_26, %reduce_sum3A_27 [0] : vector<10000x128xf32> to vector<128xf32>
    %broadcast_in_dim3A_29 = vector.shape_cast %reduce_sum3A_28 : vector<128xf32> to vector<1x128xf32>
    %div3A_30 = arith.constant 1.000000e+04 : f32
    %div3A_31 = vector.broadcast %div3A_30 : f32 to vector<1x128xf32>
    %div3A_32 = arith.divf %broadcast_in_dim3A_29, %div3A_31 : vector<1x128xf32>
    %add3A_33 = arith.constant 9.99999974E-6 : f32
    %add3A_34 = vector.broadcast %add3A_33 : f32 to vector<1x128xf32>
    %add3A_35 = arith.addf %div3A_32, %add3A_34 : vector<1x128xf32>
    %rsqrt3A = math.rsqrt %add3A_35 : vector<1x128xf32>
    %mul3A_36 = vector.broadcast %rsqrt3A : vector<1x128xf32> to vector<10000x128xf32>
    %mul3A_37 = arith.mulf %sub3A_25, %mul3A_36 : vector<10000x128xf32>
    %get3A_38 = arith.constant 0 : index
    %get3A_39 = arith.constant 0 : index
    %get3A_40 = vector.load %arg4[%get3A_38, %get3A_39] : memref<1x128xf32, #tpu.memory_space<vmem>>, vector<1x128xf32>
    %mul3A_41 = vector.broadcast %get3A_40 : vector<1x128xf32> to vector<10000x128xf32>
    %mul3A_42 = arith.mulf %mul3A_37, %mul3A_41 : vector<10000x128xf32>
    %get3A_43 = arith.constant 0 : index
    %get3A_44 = arith.constant 0 : index
    %get3A_45 = vector.load %arg5[%get3A_43, %get3A_44] : memref<1x128xf32, #tpu.memory_space<vmem>>, vector<1x128xf32>
    %add3A_46 = vector.broadcast %get3A_45 : vector<1x128xf32> to vector<10000x128xf32>
    %add3A_47 = arith.addf %mul3A_42, %add3A_46 : vector<10000x128xf32>
    %max3A = arith.constant 0.000000e+00 : f32
    %max3A_48 = vector.broadcast %max3A : f32 to vector<10000x128xf32>
    %max3A_49 = arith.maximumf %add3A_47, %max3A_48 : vector<10000x128xf32>
    %swap3A = arith.constant 0 : index
    %swap3A_50 = arith.constant 0 : index
    %swap3A_51 = vector.load %arg6[%swap3A, %swap3A_50] : memref<10000x128xf32, #tpu.memory_space<vmem>>, vector<10000x128xf32>
    tpu.vector_store %arg6[%swap3A, %swap3A_50], %max3A_49 {strides = array<i32>} : memref<10000x128xf32, #tpu.memory_space<vmem>>, vector<10000x128xf32>,
    return
  }
}

</mosaic_0001>

<sc_bundles>
// kernel: kernel.11.cloned.1.call-start
scs
__scs_entry_jumppad:
0x0: {  	(pc) =	sbr.rel $0x88, $3  }
0x1: {  	(tag) =	ssettag $0x0;
	lr =	simm.s32 $0x1  }
0x2: {  	[smem:$0x3F97] =	sst lr;
	_ =	strace $0xD0000000  }
0x3: {  	_ = 	snop  }
0x4: {  	_ = 	snop  }
0x5: {  	_ = 	snop  }
0x6: {  	_ = 	snop  }
0x7: {  	_ = 	snop  }
__scs_overlays_trampoline_lowered:
0x8: {  	[smem:$0x3FA6] =	sst s0  }
0x9: {  	[smem:$0x3FA7] =	sst s1  }
0xa: {  	[smem:$0x3FA8] =	sst s2  }
0xb: {  	[smem:$0x3FA9] =	sst s3  }
0xc: {  	[smem:$0x3FAA] =	sst s4  }
0xd: {  	[smem:$0x3FAB] =	sst s5  }
0xe: {  	[smem:$0x3FAC] =	sst s6  }
0xf: {  	[smem:$0x3FAD] =	sst s7  }
0x10: {  	[smem:$0x3FAE] =	sst s8  }
0x11: {  	[smem:$0x3FAF] =	sst s9;
	s0 =	simm.s32 @!p0 $0x0  }
0x12: {  	s1 =	sld [smem:$0x3F95];
	s0 =	simm.s32 @p0 $0x1  }
0x13: {  	[smem:$0x3FB0] =	sst s0;
	s0 =	simm.s32 @!p1 $0x0  }
0x14: {  	s2 =	sld [smem:$0x3F94];
	s0 =	simm.s32 @p1 $0x1  }
0x15: {  	[smem:$0x3FB1] =	sst s0;
	s0 =	simm.s32 @!p2 $0x0  }
0x16: {  	s3 =	sld [smem:$0x3FDB];
	s0 =	simm.s32 @p2 $0x1  }
0x17: {  	s4 =	simm.s32 $0x1BF5;
	[smem:$0x3FB3] =	sst s0  }
0x18: {  	s0 =	sld [smem:$0x3F96];
	_ =	swait.ge [sflag:s4], $0x0  }
0x19: {  	s7 =	sld [smem:$0x3F97]  }
0x1a: {  	s8 =	sadd.s32 $0xFFFFE003, lr  }
0x1b: {  	s9 =	sadd.s32 $0xFFFFFEF7, lr;
	s5 =	simm.s32 $0xFFFFFFFF;
	p2 =	slt.u32 s8, $0xFFFFF086  }
0x1c: {  	p1 =	slt.u32 s9, $0xF7A;
	s5 =	simm.s32 @!p2 $0x0  }
0x1d: {  	s5 =	simm.s32 @p1 $0x1;
	p0 =	seq.s32 s7, s2  }
0x1e: {  	s7 =	smul.u32 @!p0 $0xF7A, s2;
	p2 =	seq.s32 @!p0 s5, $0x0  }
0x1f: {  	s9 =	smul.u32 $0xF7A, s1;
	s8 =	simm.s32 @!p0 $0x1BF5;
	p2 =	por !p2, p0  }
0x20: {  	[sflag:s8] =	ssyncset.s32 @!p0 $0xFFFFF086;
	s6 =	sadd.s32 @!p0 s3, s7;
	s7 =	simm.s32 @!p0 $0x108  }
0x21: {  	s3 =	sadd.s32 s3, s9;
	s6 =	sadd.s32 @!p0 $0x88, s6;
	s7 =	simm.s32 @p2 $0x1082  }
0x22: {  	[simem:s7], [sflag:s8] =	dma.local @!p0 [hbm:s6], $0xF7A  }
0x23: {  	s9 =	sor.u32 $0xD0000000, s2;
	s6 =	simm.s32 $0x108;
	_ =	swait.ge @!p0 [sflag:s8], $0x0  }
0x24: {  	s3 =	sadd.s32 $0x88, s3;
	s6 =	simm.s32 @!p1 $0x1082;
	[sflag:s4] =	ssyncset.s32 $0xFFFFF086  }
0x25: {  	[simem:s6], [sflag:s4] =	dma.local [hbm:s3], $0xF7A  }
0x26: {  	[smem:$0x3F97] =	sst s1;
	(tag) =	ssettag s2;
	_ =	strace s9  }
0x27: {  	s1 =	sld [smem:$0x3FA7]  }
0x28: {  	s2 =	sld [smem:$0x3FA8]  }
0x29: {  	s4 =	sld [smem:$0x3FAA]  }
0x2a: {  	p0 =	seq.s32 s5, $0x0;
	s5 =	sld [smem:$0x3FAB]  }
0x2b: {  	s6 =	sld [smem:$0x3FAC]  }
0x2c: {  	s7 =	sld [smem:$0x3FAD]  }
0x2d: {  	s3 =	simm.s32 $0x108;
	s8 =	sld [smem:$0x3FAE]  }
0x2e: {  	s3 =	simm.s32 @!p0 $0x1082;
	s9 =	sld [smem:$0x3FAF]  }
0x2f: {  	lr =	sadd.s32 s0, s3;
	s0 =	sld [smem:$0x3FA6]  }
0x30: {  	s3 =	sld [smem:$0x3FA9]  }
0x31: {  	[smem:$0x3FB2] =	sst s10  }
0x32: {  	s10 =	sld [smem:$0x3FB0];
	_ =	sdelay $0x3  }
0x33: {  	p0 =	seq.s32 s10, $0x1;
	s10 =	sld [smem:$0x3FB2];
	_ =	sdelay $0x3  }
0x34: {  	[smem:$0x3FB2] =	sst s10  }
0x35: {  	s10 =	sld [smem:$0x3FB1];
	_ =	sdelay $0x3  }
0x36: {  	p1 =	seq.s32 s10, $0x1;
	s10 =	sld [smem:$0x3FB2];
	_ =	sdelay $0x3  }
0x37: {  	[smem:$0x3FB2] =	sst s10  }
0x38: {  	s10 =	sld [smem:$0x3FB3]  }
0x39: {  	_ = 	snop;
	(pc) =	sbr.ind lr, $3  }
0x3a: {  	_ = 	snop  }
0x3b: {  	_ = 	snop  }
0x3c: {  	p2 =	seq.s32 s10, $0x1;
	s10 =	sld [smem:$0x3FB2]  }
0x3d: {  	_ =	shalt  }
0x3e: {  	_ =	shalt  }
0x3f: {  	_ =	shalt  }
0x40: {  	_ =	shalt  }
0x41: {  	_ =	shalt  }
0x42: {  	_ =	shalt  }
0x43: {  	_ =	shalt  }
0x44: {  	_ =	shalt  }
0x45: {  	_ =	shalt  }
0x46: {  	_ =	shalt  }
0x47: {  	_ =	shalt  }
0x48: {  	_ =	shalt  }
0x49: {  	_ =	shalt  }
0x4a: {  	_ =	shalt  }
0x4b: {  	_ =	shalt  }
0x4c: {  	_ =	shalt  }
0x4d: {  	_ =	shalt  }
0x4e: {  	_ =	shalt  }
0x4f: {  	_ =	shalt  }
0x50: {  	_ =	shalt  }
0x51: {  	_ =	shalt  }
0x52: {  	_ =	shalt  }
0x53: {  	_ =	shalt  }
0x54: {  	_ =	shalt  }
0x55: {  	_ =	shalt  }
0x56: {  	_ =	shalt  }
0x57: {  	_ =	shalt  }
0x58: {  	_ =	shalt  }
0x59: {  	_ =	shalt  }
0x5a: {  	_ =	shalt  }
0x5b: {  	_ =	shalt  }
0x5c: {  	_ =	shalt  }
0x5d: {  	_ =	shalt  }
0x5e: {  	_ =	shalt  }
0x5f: {  	_ =	shalt  }
0x60: {  	_ =	shalt  }
0x61: {  	_ =	shalt  }
0x62: {  	_ =	shalt  }
0x63: {  	_ =	shalt  }
0x64: {  	_ =	shalt  }
0x65: {  	_ =	shalt  }
0x66: {  	_ =	shalt  }
0x67: {  	_ =	shalt  }
0x68: {  	_ =	shalt  }
0x69: {  	_ =	shalt  }
0x6a: {  	_ =	shalt  }
0x6b: {  	_ =	shalt  }
0x6c: {  	_ =	shalt  }
0x6d: {  	_ =	shalt  }
0x6e: {  	_ =	shalt  }
0x6f: {  	_ =	shalt  }
0x70: {  	_ =	shalt  }
0x71: {  	_ =	shalt  }
0x72: {  	_ =	shalt  }
0x73: {  	_ =	shalt  }
0x74: {  	_ =	shalt  }
0x75: {  	_ =	shalt  }
0x76: {  	_ =	shalt  }
0x77: {  	_ =	shalt  }
0x78: {  	_ =	shalt  }
0x79: {  	_ =	shalt  }
0x7a: {  	_ =	shalt  }
0x7b: {  	_ =	shalt  }
0x7c: {  	_ =	shalt  }
0x7d: {  	_ =	shalt  }
0x7e: {  	_ =	shalt  }
0x7f: {  	_ =	shalt  }
0x80: {  	_ =	shalt  }
0x81: {  	_ =	shalt  }
0x82: {  	_ =	shalt  }
0x83: {  	_ =	shalt  }
0x84: {  	_ =	shalt  }
0x85: {  	_ =	shalt  }
0x86: {  	_ =	shalt  }
0x87: {  	_ =	shalt  }
.Lfunc_end0:
.L_simem_size_0:
called_computation.1_lowered:
.L_overlay_start_0:
0x88: {  	s2 =	sld [smem:$0x3FD9]  }
0x89: {  	s3 =	sld [smem:$0x3FFE];
	_ =	sdelay $0x1  }
0x8a: {  	s1 =	srdreg.scid  }
0x8b: {  	s0 =	sand.u32 $0x1, s1  }
0x8c: {  	s17 =	sshll.u32 s0, $0xA;
	s2 =	sadd.s32 s3, s2  }
0x8d: {  	s2 =	sadd.s32 s2, s17  }
0x8e: {  	[smem:$0x3FBE] =	sst s2  }
0x8f: {  	_ = 	snop  }
0x90: {  	s2 =	sld [smem:$0x3FD0];
	(tm) =	ssettm $0x1  }
0x91: {  	s18 =	sld [smem:$0x3FFB];
	_ =	sdelay $0x3  }
0x92: {  	_ =	strace s18  }
0x93: {  	s3 =	sld [smem:$0x3FFC];
	_ =	sdelay $0x3  }
0x94: {  	_ =	strace s3  }
0x95: {  	s3 =	sld [smem:$0x3FFD];
	_ =	sdelay $0x3  }
0x96: {  	_ =	strace s3  }
0x97: {  	_ =	strace $0x8FFFFFFF  }
0x98: {  	s19 =	sld [smem:$0x3FDB];
	_ =	sdelay $0x1  }
0x99: {  	s4 =	simm.s32 $_scs_section_size  }
0x9a: {  	s5 =	simm.s32 $_size__tile_overlayer_lowered;
	s6 =	simm.s32 $_tile_overlayer_lowered  }
0x9b: {  	s22 =	simm.s32 $0x1BFF;
	s21 =	sshll.u32 s6, $0x1;
	s3 =	sadd.s32 s4, s19  }
0x9c: {  	s7 =	simm.s32 $0x0;
	s20 =	sshll.u32 s5, $0x1;
	s5 =	sadd.s32 s21, s3  }
0x9d: {  	[timem:s7], [sflag:s22] =	dma.local [hbm:s5], s20  }
0x9e: {  	_ =	swait.ge [sflag:s22], s20  }
0x9f: {  	s4 =	ssub.s32 $0x0, s20;
	[sflag:s22] =	ssyncset.done $0x0  }
0xa0: {  	[sflag:s22] =	ssyncadd.s32 s4;
	_ =	sdelay $0x1  }
0xa1: {  	s23 =	simm.s32 $0x1B8B  }
0xa2: {  	_ =	swait.ge [sflag:s23], $0x1  }
0xa3: {  	[sflag:s23] =	ssyncset.done $0x0  }
0xa4: {  	s25 =	simm.s32 $0x1B8E;
	s24 =	sld [smem:$0x3FFE];
	[sflag:s23] =	ssyncadd.s32 $0xFFFFFFFF  }
0xa5: {  	s26 =	simm.s32 $execute0_lowered;
	[smem:$0x3FD2] =	sst s25  }
0xa6: {  	s5 =	sshll.u32 s26, $0x1;
	_ =	strace $0x80000049;
	[dreg:$0x1] =	wrdreg $0xFFFFFFFF  }
0xa7: {  	s28 =	simm.s32 $_size_execute0_lowered;
	s3 =	sadd.s32 s3, s5;
	[dreg:$0x0] =	wrdreg $0x0  }
0xa8: {  	s5 =	sshll.u32 s28, $0x1;
	[dreg:$0x2] =	wrdreg s3  }
0xa9: {  	[dreg:$0x3] =	wrdreg s5  }
0xaa: {  	[dreg:$0x4] =	wrdreg $0xC0  }
0xab: {  	_ =	task [dreg:s7], $0x5FFFF  }
0xac: {  	[dreg:$0x1] =	wrdreg $0xFFFFFFFF  }
0xad: {  	[dreg:$0x0] =	wrdreg $0x60  }
0xae: {  	[dreg:$0x2] =	wrdreg s24  }
0xaf: {  	[dreg:$0x3] =	wrdreg s2  }
0xb0: {  	[dreg:$0x4] =	wrdreg $0x90000  }
0xb1: {  	[dreg:$0x5] =	wrdreg $0x9  }
0xb2: {  	_ =	task.clear_ibuf [dreg:s7], $0x6FFFF;
	_ =	strace $0x90000049  }
0xb3: {  	s29 =	simm.s32 $0x9;
	_ =	strace $0x8000004B  }
0xb4: {  	_ =	swait.ge [sflag:s29], $0x1  }
0xb5: {  	[sflag:s29] =	ssyncadd.s32 $0xFFFFFFFF  }
0xb6: {  	_ =	strace $0x9000004B  }
0xb7: {  	_ =	sfence  }
0xb8: {  	s30 =	sld [smem:$0x0];
	_ =	sdelay $0x2  }
0xb9: {  	s31 =	sshll.u32 s1, $0xD;
	s1 =	sshrl.u32 s1, $0x2  }
0xba: {  	s3 =	sand.u32 $0x4000, s31;
	s1 =	sadd.s32 s1, s30  }
0xbb: {  	s0 =	sor.u32 s3, s0;
	s1 =	sshll.u32 s1, $0x11  }
0xbc: {  	s0 =	sor.u32 s1, s0  }
0xbd: {  	s0 =	sadd.s32 $0x8F2B, s0  }
0xbe: {  	[sflag:s0] =	ssyncadd.remote.s32 $0x1  }
0xbf: {  	_ =	sfence.sel $0xFFFF  }
0xc0: {  	[dreg:$0x0] =	wrdreg $0xFFFFFFFF;
	(pc) =	sbr.abs _section_cstart, $3  }
0xc1: {  	[dreg:$0x1] =	wrdreg $0xFFFFFFFF  }
0xc2: {  	_ =	task.clear_ibuf [dreg:s7], $0x2FFFF;
	_ =	strace $0x9FFFFFFF  }
0xc3: {  	(tm) =	ssettm $0x7FFFFFFF  }
tec
execute0_lowered:
.L_overlay_start_1:
0x0: {  	(tag) =	ssettag $0x1  }
0x1: {  	s6 =	rddreg [dreg:$0x0]  }
0x2: {  	s1 =	srdreg.scid;
	s10 =	rddreg [dreg:$0x1]  }
0x3: {  	s0 =	stileid.u32;
	s2 =	rddreg [dreg:$0x2]  }
0x4: {  	s3 =	simm.s32 $0x0;
	s15 =	simm.s32 $0x2;
	s16 =	simm.s32 $0x2800  }
0x5: {  	s17 =	simm.s32 $0x80;
	s18 =	simm.s32 $0x1;
	s5 =	sand.u32 $0x1, s1  }
0x6: {  	s29 =	sshll.u32 s0, $0x1;
	s7 =	smul.u32 $0x2780, s0;
	[smem:$0x7FF] =	sst s3  }
0x7: {  	s8 =	smul.u32 $0x4F000, s0;
	s4 =	sadd.s32 $0x3000, s6;
	s19 =	sshll.u32 s0, $0x6  }
0x8: {  	s1 =	sor.u32 s5, s29;
	s9 =	smul.u32 $0x27800, s5;
	s13 =	ssub.s32 $0x2, s5  }
0x9: {  	s19 =	sor.u32 $0x1C02, s19;
	s11 =	smul.u32 $0x500, s1;
	s1 =	rddreg [dreg:$0x3]  }
0xa: {  	_ =	strace $0x8000004A;
	s30 =	sshrl.u32 s8, $0x2;
	s31 =	sshrl.u32 s13, $0x1  }
0xb: {  	s7 =	sadd.s32 s7, s9;
	s5 =	sadd.s32 s30, s2;
	s13 =	ssub.s32 s13, s31  }
0xc: {  	s12 =	sadd.s32 s11, s6;
	s14 =	sadd.s32 s7, s6;
	s6 =	sadd.s32 $0x4000, s5  }
0xd: {  	s7 =	sadd.s32 $0x8000, s5;
	s8 =	sadd.s32 $0xC000, s5;
	s9 =	sadd.s32 $0x10000, s5  }
0xe: {  	s10 =	sadd.s32 s10, s11;
	s13 =	smax.u32 s13, $0x1;
	s20 =	sshrl.u32 s5, $0x3  }
0xf: {  	v0 =	vimm.f32 $0.0e+00;
	s11 =	sadd.s32 $0x5BE00, s12;
	s12 =	sadd.s32 $0x65E00, s14;
	s14 =	simm.s32 $0x5000  }
.LBB2_1:
0x10: {  	s21 =	simm.s32 $0x0;
	s22 =	simm.s32 $0x200  }
.LBB2_2:
0x11: {  	p0 =	sne.s32 s22, $0xFE00;
	[tilespmem:s21+$0x5070] =	vst v0  }
0x12: {  	[tilespmem:s21+$0x5000] =	vst v0  }
0x13: {  	[tilespmem:s21+$0x5010] =	vst v0  }
.Ltmp0:
0x14: {  	[tilespmem:s21+$0x5020] =	vst v0;
	(pc) =	sbr.rel @p0 .LBB2_2-.Ltmp0, $4  }
0x15: {  	[tilespmem:s21+$0x5030] =	vst v0  }
0x16: {  	[tilespmem:s21+$0x5040] =	vst v0  }
0x17: {  	[tilespmem:s21+$0x5050] =	vst v0  }
0x18: {  	[tilespmem:s21+$0x5060] =	vst v0;
	s21 =	sshra.s32 s22, $0x2;
	s22 =	sadd.s32 $0x200, s22  }
0x19: {  	[tilespmem:s21+$0x5070] =	vst v0  }
0x1a: {  	[tilespmem:s21+$0x5000] =	vst v0  }
0x1b: {  	[tilespmem:s21+$0x5010] =	vst v0  }
0x1c: {  	[tilespmem:s21+$0x5020] =	vst v0  }
0x1d: {  	[tilespmem:s21+$0x5030] =	vst v0  }
0x1e: {  	[tilespmem:s21+$0x5040] =	vst v0  }
0x1f: {  	[tilespmem:s21+$0x5050] =	vst v0  }
0x20: {  	[tilespmem:s21+$0x5060] =	vst v0  }
0x21: {  	[spmem:s5] =	stream.linear.scatter [tilespmem:s14], [sflag:$0x2], $0x4000, $0x38;
	[tilespmem:$0x1CC00] =	vst v63  }
0x22: {  	_ =	swait.ge [sflag:s15], $0x4000  }
0x23: {  	[sflag:s15] =	ssyncset.done $0x0  }
0x24: {  	[sflag:s15] =	ssyncadd.s32 $0xFFFFC000  }
0x25: {  	[spmem:s6] =	stream.linear.scatter [tilespmem:s14], [sflag:$0x2], $0x4000, $0x38;
	[tilespmem:$0x1CC00] =	vst v63  }
0x26: {  	_ =	swait.ge [sflag:s15], $0x4000  }
0x27: {  	[sflag:s15] =	ssyncset.done $0x0  }
0x28: {  	[sflag:s15] =	ssyncadd.s32 $0xFFFFC000  }
0x29: {  	[spmem:s7] =	stream.linear.scatter [tilespmem:s14], [sflag:$0x2], $0x4000, $0x38;
	[tilespmem:$0x1CC00] =	vst v63  }
0x2a: {  	_ =	swait.ge [sflag:s15], $0x4000  }
0x2b: {  	[sflag:s15] =	ssyncset.done $0x0  }
0x2c: {  	[sflag:s15] =	ssyncadd.s32 $0xFFFFC000  }
0x2d: {  	[spmem:s8] =	stream.linear.scatter [tilespmem:s14], [sflag:$0x2], $0x4000, $0x38;
	[tilespmem:$0x1CC00] =	vst v63  }
0x2e: {  	_ =	swait.ge [sflag:s15], $0x4000  }
0x2f: {  	[sflag:s15] =	ssyncset.done $0x0  }
0x30: {  	[sflag:s15] =	ssyncadd.s32 $0xFFFFC000  }
0x31: {  	[spmem:s9] =	stream.linear.scatter [tilespmem:s14], [sflag:$0x2], $0x3C00, $0x38;
	[tilespmem:$0x1CC00] =	vst v63  }
0x32: {  	_ =	swait.ge [sflag:s15], $0x3C00  }
0x33: {  	[sflag:s15] =	ssyncset.done $0x0  }
0x34: {  	s29 =	simm.s32 $0x0;
	[sflag:s15] =	ssyncadd.s32 $0xFFFFC400  }
0x35: {  	[tilespmem:s29], [sflag:$0x2] =	stream.linear.gather [hbm4b:s10+s29], $0x2780, $0x38;
	[tilespmem:$0x1CC00] =	vst v63  }
0x36: {  	_ =	swait.ge [sflag:s15], $0x2780  }
0x37: {  	[sflag:s15] =	ssyncset.done $0x0  }
0x38: {  	[sflag:s15] =	ssyncadd.s32 $0xFFFFD880  }
0x39: {  	[tilespmem:s16], [sflag:$0x2] =	stream.linear.gather [hbm4b:s11+s29], $0x2780, $0x38;
	[tilespmem:$0x1CC00] =	vst v63  }
0x3a: {  	_ =	swait.ge [sflag:s15], $0x2780  }
0x3b: {  	[sflag:s15] =	ssyncset.done $0x0  }
0x3c: {  	[sflag:s15] =	ssyncadd.s32 $0xFFFFD880  }
0x3d: {  	s30 =	simm.s32 $0x0;
	[bflag:$0x0] =	sbarrier.arrive $0xFFFF  }
0x3e: {  	[tilespmem:s14], [sflag:$0x1] =	stream.indirect.gather [hbm4b:s4+s17], $0x80, s30, s17, $0xb8;
	[tilespmem:$0x1CC00] =	vst v63  }
0x3f: {  	_ =	swait.ge [sflag:s18], $0x4000  }
0x40: {  	[sflag:s18] =	ssyncset.done $0x0  }
0x41: {  	s31 =	simm.s32 $0x2800;
	[sflag:s18] =	ssyncadd.s32 $0xFFFFC000  }
0x42: {  	[spmem:s2] =	stream.indirect.scatter.add.f32 [tilespmem:s14], [sflag:$0x2], $0x80, s31, s17, $0xb8;
	[tilespmem:$0x1CC00] =	vst v63  }
0x43: {  	_ =	swait.ge [sflag:s15], $0x4000  }
0x44: {  	s21 =	simm.s32 $0x200;
	s22 =	simm.s32 $0x400;
	[sflag:s15] =	ssyncset.done $0x0  }
.LBB2_4:
0x45: {  	s23 =	sshra.s32 s21, $0x2  }
0x46: {  	[sflag:s15] =	ssyncadd.s32 $0xFFFFC000;
	s21 =	smov.u32 s22;
	s24 =	sadd.s32 $0x200, s22  }
0x47: {  	[tilespmem:s14], [sflag:$0x1] =	stream.indirect.gather [hbm4b:s4+s17], $0x80, s23, s17, $0xb8;
	[tilespmem:$0x1CC00] =	vst v63  }
0x48: {  	p0 =	sne.s32 s22, $0x9C00;
	_ =	swait.ge [sflag:s18], $0x4000  }
.Ltmp1:
0x49: {  	[sflag:s18] =	ssyncset.done $0x0;
	(pc) =	sbr.rel @p0 .LBB2_4-.Ltmp1, $4  }
0x4a: {  	s22 =	sadd.s32 $0x2800, s23;
	[sflag:s18] =	ssyncadd.s32 $0xFFFFC000  }
0x4b: {  	[spmem:s2] =	stream.indirect.scatter.add.f32 [tilespmem:s14], [sflag:$0x2], $0x80, s22, s17, $0xb8;
	[tilespmem:$0x1CC00] =	vst v63  }
0x4c: {  	_ =	swait.ge [sflag:s15], $0x4000  }
0x4d: {  	s22 =	smov.u32 s24;
	[sflag:s15] =	ssyncset.done $0x0  }
0x4e: {  	s21 =	sshra.s32 s21, $0x2;
	[sflag:s15] =	ssyncadd.s32 $0xFFFFC000  }
0x4f: {  	[tilespmem:s14], [sflag:$0x1] =	stream.indirect.gather [hbm4b:s4+s17], $0x80, s21, s17, $0xb8;
	[tilespmem:$0x1CC00] =	vst v63  }
0x50: {  	_ =	swait.ge [sflag:s18], $0x4000  }
0x51: {  	[sflag:s18] =	ssyncset.done $0x0  }
0x52: {  	s21 =	sadd.s32 $0x2800, s21;
	[sflag:s18] =	ssyncadd.s32 $0xFFFFC000  }
0x53: {  	[spmem:s2] =	stream.indirect.scatter.add.f32 [tilespmem:s14], [sflag:$0x2], $0x80, s21, s17, $0xb8;
	[tilespmem:$0x1CC00] =	vst v63  }
0x54: {  	_ =	swait.ge [sflag:s15], $0x4000  }
0x55: {  	s3 =	sadd.s32 $0x1, s3;
	[sflag:s15] =	ssyncset.done $0x0  }
0x56: {  	p0 =	sne.s32 s3, s13;
	[sflag:s15] =	ssyncadd.s32 $0xFFFFC000  }
.Ltmp2:
0x57: {  	[bflag:$0x0] =	sbarrier.arrive $0xFFFF;
	(pc) =	sbr.rel @p0 .LBB2_1-.Ltmp2, $4  }
0x58: {  	[hbm:s12], [sflag:s19] =	dma.local [spmem:s20], $0x2780  }
0x59: {  	_ =	swait.ge [sflag:s15], $0x2780  }
0x5a: {  	[sflag:s15] =	ssyncset.done $0x0  }
0x5b: {  	[sflag:s15] =	ssyncadd.s32 $0xFFFFD880  }
0x5c: {  	_ =	sfence.sel $0x180000  }
0x5d: {  	[bflag:$0x0] =	sbarrier.arrive $0xFFFF  }
0x5e: {  	p0 =	sne.s32 s0, $0x0;
	_ =	strace $0x9000004A  }
0x5f: {  	s0 =	sadd.s32 @!p0 $0x100000, s1;
	[bflag:$0x2] =	sbarrier.arrive $0xFFFF  }
0x60: {  	[sflag:s0] =	ssyncadd.tile.s32 @!p0 $0x1;
	_ =	shalt  }
.Lfunc_end2:
_tile_overlayer_lowered:
.L_overlay_start_2:
0x61: {  	(tag) =	ssettag $0x2  }
0x62: {  	s0 =	rddreg [dreg:$0x0];
	s2 =	stileid.u32  }
0x63: {  	s1 =	rddreg [dreg:$0x1];
	p0 =	sne.s32 s2, $0x0  }
0x64: {  	s3 =	rddreg [dreg:$0x2];
	[bflag:$0x3] =	sbarrier.arrive $0xFFFF;
	s2 =	simm.s32 @!p0 $0x1C02  }
0x65: {  	[timem:s3], [sflag:s2] =	dma.local @!p0 [hbm:s0], s1  }
0x66: {  	s0 =	simm.s32 @!p0 $0x2  }
0x67: {  	_ =	swait.ge @!p0 [sflag:s0], s1  }
0x68: {  	s1 =	ssub.s32 @!p0 $0x0, s1;
	[sflag:s0] =	ssyncset.done @!p0 $0x0  }
0x69: {  	[sflag:s0] =	ssyncadd.s32 @!p0 s1  }
0x6a: {  	[bflag:$0x3] =	sbarrier.arrive $0xFFFF  }
0x6b: {  	_ =	shalt  }

// kernel: kernel.14.cloned.1.call-start
scs
__scs_entry_jumppad:
0x0: {  	(pc) =	sbr.rel $0x88, $3  }
0x1: {  	(tag) =	ssettag $0x0;
	lr =	simm.s32 $0x1  }
0x2: {  	[smem:$0x3F97] =	sst lr;
	_ =	strace $0xD0000000  }
0x3: {  	_ = 	snop  }
0x4: {  	_ = 	snop  }
0x5: {  	_ = 	snop  }
0x6: {  	_ = 	snop  }
0x7: {  	_ = 	snop  }
__scs_overlays_trampoline_lowered:
0x8: {  	[smem:$0x3FA6] =	sst s0  }
0x9: {  	[smem:$0x3FA7] =	sst s1  }
0xa: {  	[smem:$0x3FA8] =	sst s2  }
0xb: {  	[smem:$0x3FA9] =	sst s3  }
0xc: {  	[smem:$0x3FAA] =	sst s4  }
0xd: {  	[smem:$0x3FAB] =	sst s5  }
0xe: {  	[smem:$0x3FAC] =	sst s6  }
0xf: {  	[smem:$0x3FAD] =	sst s7  }
0x10: {  	[smem:$0x3FAE] =	sst s8  }
0x11: {  	[smem:$0x3FAF] =	sst s9;
	s0 =	simm.s32 @!p0 $0x0  }
0x12: {  	s1 =	sld [smem:$0x3F95];
	s0 =	simm.s32 @p0 $0x1  }
0x13: {  	[smem:$0x3FB0] =	sst s0;
	s0 =	simm.s32 @!p1 $0x0  }
0x14: {  	s2 =	sld [smem:$0x3F94];
	s0 =	simm.s32 @p1 $0x1  }
0x15: {  	[smem:$0x3FB1] =	sst s0;
	s0 =	simm.s32 @!p2 $0x0  }
0x16: {  	s3 =	sld [smem:$0x3FDB];
	s0 =	simm.s32 @p2 $0x1  }
0x17: {  	s4 =	simm.s32 $0x1BF5;
	[smem:$0x3FB3] =	sst s0  }
0x18: {  	s0 =	sld [smem:$0x3F96];
	_ =	swait.ge [sflag:s4], $0x0  }
0x19: {  	s7 =	sld [smem:$0x3F97]  }
0x1a: {  	s8 =	sadd.s32 $0xFFFFE003, lr  }
0x1b: {  	s9 =	sadd.s32 $0xFFFFFEF7, lr;
	s5 =	simm.s32 $0xFFFFFFFF;
	p2 =	slt.u32 s8, $0xFFFFF086  }
0x1c: {  	p1 =	slt.u32 s9, $0xF7A;
	s5 =	simm.s32 @!p2 $0x0  }
0x1d: {  	s5 =	simm.s32 @p1 $0x1;
	p0 =	seq.s32 s7, s2  }
0x1e: {  	s7 =	smul.u32 @!p0 $0xF7A, s2;
	p2 =	seq.s32 @!p0 s5, $0x0  }
0x1f: {  	s9 =	smul.u32 $0xF7A, s1;
	s8 =	simm.s32 @!p0 $0x1BF5;
	p2 =	por !p2, p0  }
0x20: {  	[sflag:s8] =	ssyncset.s32 @!p0 $0xFFFFF086;
	s6 =	sadd.s32 @!p0 s3, s7;
	s7 =	simm.s32 @!p0 $0x108  }
0x21: {  	s3 =	sadd.s32 s3, s9;
	s6 =	sadd.s32 @!p0 $0x88, s6;
	s7 =	simm.s32 @p2 $0x1082  }
0x22: {  	[simem:s7], [sflag:s8] =	dma.local @!p0 [hbm:s6], $0xF7A  }
0x23: {  	s9 =	sor.u32 $0xD0000000, s2;
	s6 =	simm.s32 $0x108;
	_ =	swait.ge @!p0 [sflag:s8], $0x0  }
0x24: {  	s3 =	sadd.s32 $0x88, s3;
	s6 =	simm.s32 @!p1 $0x1082;
	[sflag:s4] =	ssyncset.s32 $0xFFFFF086  }
0x25: {  	[simem:s6], [sflag:s4] =	dma.local [hbm:s3], $0xF7A  }
0x26: {  	[smem:$0x3F97] =	sst s1;
	(tag) =	ssettag s2;
	_ =	strace s9  }
0x27: {  	s1 =	sld [smem:$0x3FA7]  }
0x28: {  	s2 =	sld [smem:$0x3FA8]  }
0x29: {  	s4 =	sld [smem:$0x3FAA]  }
0x2a: {  	p0 =	seq.s32 s5, $0x0;
	s5 =	sld [smem:$0x3FAB]  }
0x2b: {  	s6 =	sld [smem:$0x3FAC]  }
0x2c: {  	s7 =	sld [smem:$0x3FAD]  }
0x2d: {  	s3 =	simm.s32 $0x108;
	s8 =	sld [smem:$0x3FAE]  }
0x2e: {  	s3 =	simm.s32 @!p0 $0x1082;
	s9 =	sld [smem:$0x3FAF]  }
0x2f: {  	lr =	sadd.s32 s0, s3;
	s0 =	sld [smem:$0x3FA6]  }
0x30: {  	s3 =	sld [smem:$0x3FA9]  }
0x31: {  	[smem:$0x3FB2] =	sst s10  }
0x32: {  	s10 =	sld [smem:$0x3FB0];
	_ =	sdelay $0x3  }
0x33: {  	p0 =	seq.s32 s10, $0x1;
	s10 =	sld [smem:$0x3FB2];
	_ =	sdelay $0x3  }
0x34: {  	[smem:$0x3FB2] =	sst s10  }
0x35: {  	s10 =	sld [smem:$0x3FB1];
	_ =	sdelay $0x3  }
0x36: {  	p1 =	seq.s32 s10, $0x1;
	s10 =	sld [smem:$0x3FB2];
	_ =	sdelay $0x3  }
0x37: {  	[smem:$0x3FB2] =	sst s10  }
0x38: {  	s10 =	sld [smem:$0x3FB3]  }
0x39: {  	_ = 	snop;
	(pc) =	sbr.ind lr, $3  }
0x3a: {  	_ = 	snop  }
0x3b: {  	_ = 	snop  }
0x3c: {  	p2 =	seq.s32 s10, $0x1;
	s10 =	sld [smem:$0x3FB2]  }
0x3d: {  	_ =	shalt  }
0x3e: {  	_ =	shalt  }
0x3f: {  	_ =	shalt  }
0x40: {  	_ =	shalt  }
0x41: {  	_ =	shalt  }
0x42: {  	_ =	shalt  }
0x43: {  	_ =	shalt  }
0x44: {  	_ =	shalt  }
0x45: {  	_ =	shalt  }
0x46: {  	_ =	shalt  }
0x47: {  	_ =	shalt  }
0x48: {  	_ =	shalt  }
0x49: {  	_ =	shalt  }
0x4a: {  	_ =	shalt  }
0x4b: {  	_ =	shalt  }
0x4c: {  	_ =	shalt  }
0x4d: {  	_ =	shalt  }
0x4e: {  	_ =	shalt  }
0x4f: {  	_ =	shalt  }
0x50: {  	_ =	shalt  }
0x51: {  	_ =	shalt  }
0x52: {  	_ =	shalt  }
0x53: {  	_ =	shalt  }
0x54: {  	_ =	shalt  }
0x55: {  	_ =	shalt  }
0x56: {  	_ =	shalt  }
0x57: {  	_ =	shalt  }
0x58: {  	_ =	shalt  }
0x59: {  	_ =	shalt  }
0x5a: {  	_ =	shalt  }
0x5b: {  	_ =	shalt  }
0x5c: {  	_ =	shalt  }
0x5d: {  	_ =	shalt  }
0x5e: {  	_ =	shalt  }
0x5f: {  	_ =	shalt  }
0x60: {  	_ =	shalt  }
0x61: {  	_ =	shalt  }
0x62: {  	_ =	shalt  }
0x63: {  	_ =	shalt  }
0x64: {  	_ =	shalt  }
0x65: {  	_ =	shalt  }
0x66: {  	_ =	shalt  }
0x67: {  	_ =	shalt  }
0x68: {  	_ =	shalt  }
0x69: {  	_ =	shalt  }
0x6a: {  	_ =	shalt  }
0x6b: {  	_ =	shalt  }
0x6c: {  	_ =	shalt  }
0x6d: {  	_ =	shalt  }
0x6e: {  	_ =	shalt  }
0x6f: {  	_ =	shalt  }
0x70: {  	_ =	shalt  }
0x71: {  	_ =	shalt  }
0x72: {  	_ =	shalt  }
0x73: {  	_ =	shalt  }
0x74: {  	_ =	shalt  }
0x75: {  	_ =	shalt  }
0x76: {  	_ =	shalt  }
0x77: {  	_ =	shalt  }
0x78: {  	_ =	shalt  }
0x79: {  	_ =	shalt  }
0x7a: {  	_ =	shalt  }
0x7b: {  	_ =	shalt  }
0x7c: {  	_ =	shalt  }
0x7d: {  	_ =	shalt  }
0x7e: {  	_ =	shalt  }
0x7f: {  	_ =	shalt  }
0x80: {  	_ =	shalt  }
0x81: {  	_ =	shalt  }
0x82: {  	_ =	shalt  }
0x83: {  	_ =	shalt  }
0x84: {  	_ =	shalt  }
0x85: {  	_ =	shalt  }
0x86: {  	_ =	shalt  }
0x87: {  	_ =	shalt  }
.Lfunc_end0:
.L_simem_size_0:
called_computation.2_lowered:
.L_overlay_start_0:
0x88: {  	s2 =	sld [smem:$0x3FD9]  }
0x89: {  	s3 =	sld [smem:$0x3FFE];
	_ =	sdelay $0x1  }
0x8a: {  	s1 =	srdreg.scid  }
0x8b: {  	s0 =	sand.u32 $0x1, s1  }
0x8c: {  	s17 =	sshll.u32 s0, $0xA;
	s2 =	sadd.s32 s3, s2  }
0x8d: {  	s2 =	sadd.s32 s2, s17  }
0x8e: {  	[smem:$0x3FBE] =	sst s2  }
0x8f: {  	_ = 	snop  }
0x90: {  	s2 =	sld [smem:$0x3FD0];
	(tm) =	ssettm $0x1  }
0x91: {  	s18 =	sld [smem:$0x3FFB];
	_ =	sdelay $0x3  }
0x92: {  	_ =	strace s18  }
0x93: {  	s3 =	sld [smem:$0x3FFC];
	_ =	sdelay $0x3  }
0x94: {  	_ =	strace s3  }
0x95: {  	s3 =	sld [smem:$0x3FFD];
	_ =	sdelay $0x3  }
0x96: {  	_ =	strace s3  }
0x97: {  	_ =	strace $0x8FFFFFFF  }
0x98: {  	s19 =	sld [smem:$0x3FDB];
	_ =	sdelay $0x1  }
0x99: {  	s4 =	simm.s32 $_scs_section_size  }
0x9a: {  	s5 =	simm.s32 $_size__tile_overlayer_lowered;
	s6 =	simm.s32 $_tile_overlayer_lowered  }
0x9b: {  	s22 =	simm.s32 $0x1BFF;
	s21 =	sshll.u32 s6, $0x1;
	s3 =	sadd.s32 s4, s19  }
0x9c: {  	s7 =	simm.s32 $0x0;
	s20 =	sshll.u32 s5, $0x1;
	s5 =	sadd.s32 s21, s3  }
0x9d: {  	[timem:s7], [sflag:s22] =	dma.local [hbm:s5], s20  }
0x9e: {  	_ =	swait.ge [sflag:s22], s20  }
0x9f: {  	s4 =	ssub.s32 $0x0, s20;
	[sflag:s22] =	ssyncset.done $0x0  }
0xa0: {  	[sflag:s22] =	ssyncadd.s32 s4;
	_ =	sdelay $0x1  }
0xa1: {  	s23 =	simm.s32 $0x1B8B  }
0xa2: {  	_ =	swait.ge [sflag:s23], $0x1  }
0xa3: {  	[sflag:s23] =	ssyncset.done $0x0  }
0xa4: {  	s25 =	simm.s32 $0x1B8E;
	s24 =	sld [smem:$0x3FFE];
	[sflag:s23] =	ssyncadd.s32 $0xFFFFFFFF  }
0xa5: {  	s26 =	simm.s32 $execute0_lowered;
	[smem:$0x3FD2] =	sst s25  }
0xa6: {  	s5 =	sshll.u32 s26, $0x1;
	_ =	strace $0x8000004C;
	[dreg:$0x1] =	wrdreg $0xFFFFFFFF  }
0xa7: {  	s28 =	simm.s32 $_size_execute0_lowered;
	s3 =	sadd.s32 s3, s5;
	[dreg:$0x0] =	wrdreg $0x0  }
0xa8: {  	s5 =	sshll.u32 s28, $0x1;
	[dreg:$0x2] =	wrdreg s3  }
0xa9: {  	[dreg:$0x3] =	wrdreg s5  }
0xaa: {  	[dreg:$0x4] =	wrdreg $0xC0  }
0xab: {  	_ =	task [dreg:s7], $0x5FFFF  }
0xac: {  	[dreg:$0x1] =	wrdreg $0xFFFFFFFF  }
0xad: {  	[dreg:$0x0] =	wrdreg $0x60  }
0xae: {  	[dreg:$0x2] =	wrdreg s24  }
0xaf: {  	[dreg:$0x3] =	wrdreg s2  }
0xb0: {  	[dreg:$0x4] =	wrdreg $0x90000  }
0xb1: {  	[dreg:$0x5] =	wrdreg $0x9  }
0xb2: {  	_ =	task.clear_ibuf [dreg:s7], $0x6FFFF;
	_ =	strace $0x9000004C  }
0xb3: {  	s29 =	simm.s32 $0x9;
	_ =	strace $0x8000004E  }
0xb4: {  	_ =	swait.ge [sflag:s29], $0x1  }
0xb5: {  	[sflag:s29] =	ssyncadd.s32 $0xFFFFFFFF  }
0xb6: {  	_ =	strace $0x9000004E  }
0xb7: {  	_ =	sfence  }
0xb8: {  	s30 =	sld [smem:$0x0];
	_ =	sdelay $0x2  }
0xb9: {  	s31 =	sshll.u32 s1, $0xD;
	s1 =	sshrl.u32 s1, $0x2  }
0xba: {  	s3 =	sand.u32 $0x4000, s31;
	s1 =	sadd.s32 s1, s30  }
0xbb: {  	s0 =	sor.u32 s3, s0;
	s1 =	sshll.u32 s1, $0x11  }
0xbc: {  	s0 =	sor.u32 s1, s0  }
0xbd: {  	s0 =	sadd.s32 $0x8F2B, s0  }
0xbe: {  	[sflag:s0] =	ssyncadd.remote.s32 $0x1  }
0xbf: {  	_ =	sfence.sel $0xFFFF  }
0xc0: {  	[dreg:$0x0] =	wrdreg $0xFFFFFFFF;
	(pc) =	sbr.abs _section_cstart, $3  }
0xc1: {  	[dreg:$0x1] =	wrdreg $0xFFFFFFFF  }
0xc2: {  	_ =	task.clear_ibuf [dreg:s7], $0x2FFFF;
	_ =	strace $0x9FFFFFFF  }
0xc3: {  	(tm) =	ssettm $0x7FFFFFFF  }
tec
execute0_lowered:
.L_overlay_start_1:
0x0: {  	(tag) =	ssettag $0x1  }
0x1: {  	s6 =	rddreg [dreg:$0x0]  }
0x2: {  	s1 =	srdreg.scid;
	s10 =	rddreg [dreg:$0x1]  }
0x3: {  	s0 =	stileid.u32;
	s2 =	rddreg [dreg:$0x2]  }
0x4: {  	s3 =	simm.s32 $0x0;
	s15 =	simm.s32 $0x2;
	s16 =	simm.s32 $0x2800  }
0x5: {  	s17 =	simm.s32 $0x80;
	s18 =	simm.s32 $0x1;
	s5 =	sand.u32 $0x1, s1  }
0x6: {  	s29 =	sshll.u32 s0, $0x1;
	s7 =	smul.u32 $0x2780, s0;
	[smem:$0x7FF] =	sst s3  }
0x7: {  	s8 =	smul.u32 $0x4F000, s0;
	s4 =	sadd.s32 $0x3000, s6;
	s19 =	sshll.u32 s0, $0x6  }
0x8: {  	s1 =	sor.u32 s5, s29;
	s9 =	smul.u32 $0x27800, s5;
	s13 =	ssub.s32 $0x2, s5  }
0x9: {  	s19 =	sor.u32 $0x1C02, s19;
	s11 =	smul.u32 $0x500, s1;
	s1 =	rddreg [dreg:$0x3]  }
0xa: {  	_ =	strace $0x8000004D;
	s30 =	sshrl.u32 s8, $0x2;
	s31 =	sshrl.u32 s13, $0x1  }
0xb: {  	s7 =	sadd.s32 s7, s9;
	s5 =	sadd.s32 s30, s2;
	s13 =	ssub.s32 s13, s31  }
0xc: {  	s12 =	sadd.s32 s11, s6;
	s14 =	sadd.s32 s7, s6;
	s6 =	sadd.s32 $0x4000, s5  }
0xd: {  	s7 =	sadd.s32 $0x8000, s5;
	s8 =	sadd.s32 $0xC000, s5;
	s9 =	sadd.s32 $0x10000, s5  }
0xe: {  	s10 =	sadd.s32 s10, s11;
	s13 =	smax.u32 s13, $0x1;
	s20 =	sshrl.u32 s5, $0x3  }
0xf: {  	v0 =	vimm.f32 $0.0e+00;
	s11 =	sadd.s32 $0x5BE00, s12;
	s12 =	sadd.s32 $0x65E00, s14;
	s14 =	simm.s32 $0x5000  }
.LBB2_1:
0x10: {  	s21 =	simm.s32 $0x0;
	s22 =	simm.s32 $0x200  }
.LBB2_2:
0x11: {  	p0 =	sne.s32 s22, $0xFE00;
	[tilespmem:s21+$0x5070] =	vst v0  }
0x12: {  	[tilespmem:s21+$0x5000] =	vst v0  }
0x13: {  	[tilespmem:s21+$0x5010] =	vst v0  }
.Ltmp0:
0x14: {  	[tilespmem:s21+$0x5020] =	vst v0;
	(pc) =	sbr.rel @p0 .LBB2_2-.Ltmp0, $4  }
0x15: {  	[tilespmem:s21+$0x5030] =	vst v0  }
0x16: {  	[tilespmem:s21+$0x5040] =	vst v0  }
0x17: {  	[tilespmem:s21+$0x5050] =	vst v0  }
0x18: {  	[tilespmem:s21+$0x5060] =	vst v0;
	s21 =	sshra.s32 s22, $0x2;
	s22 =	sadd.s32 $0x200, s22  }
0x19: {  	[tilespmem:s21+$0x5070] =	vst v0  }
0x1a: {  	[tilespmem:s21+$0x5000] =	vst v0  }
0x1b: {  	[tilespmem:s21+$0x5010] =	vst v0  }
0x1c: {  	[tilespmem:s21+$0x5020] =	vst v0  }
0x1d: {  	[tilespmem:s21+$0x5030] =	vst v0  }
0x1e: {  	[tilespmem:s21+$0x5040] =	vst v0  }
0x1f: {  	[tilespmem:s21+$0x5050] =	vst v0  }
0x20: {  	[tilespmem:s21+$0x5060] =	vst v0  }
0x21: {  	[spmem:s5] =	stream.linear.scatter [tilespmem:s14], [sflag:$0x2], $0x4000, $0x38;
	[tilespmem:$0x1CC00] =	vst v63  }
0x22: {  	_ =	swait.ge [sflag:s15], $0x4000  }
0x23: {  	[sflag:s15] =	ssyncset.done $0x0  }
0x24: {  	[sflag:s15] =	ssyncadd.s32 $0xFFFFC000  }
0x25: {  	[spmem:s6] =	stream.linear.scatter [tilespmem:s14], [sflag:$0x2], $0x4000, $0x38;
	[tilespmem:$0x1CC00] =	vst v63  }
0x26: {  	_ =	swait.ge [sflag:s15], $0x4000  }
0x27: {  	[sflag:s15] =	ssyncset.done $0x0  }
0x28: {  	[sflag:s15] =	ssyncadd.s32 $0xFFFFC000  }
0x29: {  	[spmem:s7] =	stream.linear.scatter [tilespmem:s14], [sflag:$0x2], $0x4000, $0x38;
	[tilespmem:$0x1CC00] =	vst v63  }
0x2a: {  	_ =	swait.ge [sflag:s15], $0x4000  }
0x2b: {  	[sflag:s15] =	ssyncset.done $0x0  }
0x2c: {  	[sflag:s15] =	ssyncadd.s32 $0xFFFFC000  }
0x2d: {  	[spmem:s8] =	stream.linear.scatter [tilespmem:s14], [sflag:$0x2], $0x4000, $0x38;
	[tilespmem:$0x1CC00] =	vst v63  }
0x2e: {  	_ =	swait.ge [sflag:s15], $0x4000  }
0x2f: {  	[sflag:s15] =	ssyncset.done $0x0  }
0x30: {  	[sflag:s15] =	ssyncadd.s32 $0xFFFFC000  }
0x31: {  	[spmem:s9] =	stream.linear.scatter [tilespmem:s14], [sflag:$0x2], $0x3C00, $0x38;
	[tilespmem:$0x1CC00] =	vst v63  }
0x32: {  	_ =	swait.ge [sflag:s15], $0x3C00  }
0x33: {  	[sflag:s15] =	ssyncset.done $0x0  }
0x34: {  	s29 =	simm.s32 $0x0;
	[sflag:s15] =	ssyncadd.s32 $0xFFFFC400  }
0x35: {  	[tilespmem:s29], [sflag:$0x2] =	stream.linear.gather [hbm4b:s10+s29], $0x2780, $0x38;
	[tilespmem:$0x1CC00] =	vst v63  }
0x36: {  	_ =	swait.ge [sflag:s15], $0x2780  }
0x37: {  	[sflag:s15] =	ssyncset.done $0x0  }
0x38: {  	[sflag:s15] =	ssyncadd.s32 $0xFFFFD880  }
0x39: {  	[tilespmem:s16], [sflag:$0x2] =	stream.linear.gather [hbm4b:s11+s29], $0x2780, $0x38;
	[tilespmem:$0x1CC00] =	vst v63  }
0x3a: {  	_ =	swait.ge [sflag:s15], $0x2780  }
0x3b: {  	[sflag:s15] =	ssyncset.done $0x0  }
0x3c: {  	[sflag:s15] =	ssyncadd.s32 $0xFFFFD880  }
0x3d: {  	s30 =	simm.s32 $0x0;
	[bflag:$0x0] =	sbarrier.arrive $0xFFFF  }
0x3e: {  	[tilespmem:s14], [sflag:$0x1] =	stream.indirect.gather [hbm4b:s4+s17], $0x80, s30, s17, $0xb8;
	[tilespmem:$0x1CC00] =	vst v63  }
0x3f: {  	_ =	swait.ge [sflag:s18], $0x4000  }
0x40: {  	[sflag:s18] =	ssyncset.done $0x0  }
0x41: {  	s31 =	simm.s32 $0x2800;
	[sflag:s18] =	ssyncadd.s32 $0xFFFFC000  }
0x42: {  	[spmem:s2] =	stream.indirect.scatter.add.f32 [tilespmem:s14], [sflag:$0x2], $0x80, s31, s17, $0xb8;
	[tilespmem:$0x1CC00] =	vst v63  }
0x43: {  	_ =	swait.ge [sflag:s15], $0x4000  }
0x44: {  	s21 =	simm.s32 $0x200;
	s22 =	simm.s32 $0x400;
	[sflag:s15] =	ssyncset.done $0x0  }
.LBB2_4:
0x45: {  	s23 =	sshra.s32 s21, $0x2  }
0x46: {  	[sflag:s15] =	ssyncadd.s32 $0xFFFFC000;
	s21 =	smov.u32 s22;
	s24 =	sadd.s32 $0x200, s22  }
0x47: {  	[tilespmem:s14], [sflag:$0x1] =	stream.indirect.gather [hbm4b:s4+s17], $0x80, s23, s17, $0xb8;
	[tilespmem:$0x1CC00] =	vst v63  }
0x48: {  	p0 =	sne.s32 s22, $0x9C00;
	_ =	swait.ge [sflag:s18], $0x4000  }
.Ltmp1:
0x49: {  	[sflag:s18] =	ssyncset.done $0x0;
	(pc) =	sbr.rel @p0 .LBB2_4-.Ltmp1, $4  }
0x4a: {  	s22 =	sadd.s32 $0x2800, s23;
	[sflag:s18] =	ssyncadd.s32 $0xFFFFC000  }
0x4b: {  	[spmem:s2] =	stream.indirect.scatter.add.f32 [tilespmem:s14], [sflag:$0x2], $0x80, s22, s17, $0xb8;
	[tilespmem:$0x1CC00] =	vst v63  }
0x4c: {  	_ =	swait.ge [sflag:s15], $0x4000  }
0x4d: {  	s22 =	smov.u32 s24;
	[sflag:s15] =	ssyncset.done $0x0  }
0x4e: {  	s21 =	sshra.s32 s21, $0x2;
	[sflag:s15] =	ssyncadd.s32 $0xFFFFC000  }
0x4f: {  	[tilespmem:s14], [sflag:$0x1] =	stream.indirect.gather [hbm4b:s4+s17], $0x80, s21, s17, $0xb8;
	[tilespmem:$0x1CC00] =	vst v63  }
0x50: {  	_ =	swait.ge [sflag:s18], $0x4000  }
0x51: {  	[sflag:s18] =	ssyncset.done $0x0  }
0x52: {  	s21 =	sadd.s32 $0x2800, s21;
	[sflag:s18] =	ssyncadd.s32 $0xFFFFC000  }
0x53: {  	[spmem:s2] =	stream.indirect.scatter.add.f32 [tilespmem:s14], [sflag:$0x2], $0x80, s21, s17, $0xb8;
	[tilespmem:$0x1CC00] =	vst v63  }
0x54: {  	_ =	swait.ge [sflag:s15], $0x4000  }
0x55: {  	s3 =	sadd.s32 $0x1, s3;
	[sflag:s15] =	ssyncset.done $0x0  }
0x56: {  	p0 =	sne.s32 s3, s13;
	[sflag:s15] =	ssyncadd.s32 $0xFFFFC000  }
.Ltmp2:
0x57: {  	[bflag:$0x0] =	sbarrier.arrive $0xFFFF;
	(pc) =	sbr.rel @p0 .LBB2_1-.Ltmp2, $4  }
0x58: {  	[hbm:s12], [sflag:s19] =	dma.local [spmem:s20], $0x2780  }
0x59: {  	_ =	swait.ge [sflag:s15], $0x2780  }
0x5a: {  	[sflag:s15] =	ssyncset.done $0x0  }
0x5b: {  	[sflag:s15] =	ssyncadd.s32 $0xFFFFD880  }
0x5c: {  	_ =	sfence.sel $0x180000  }
0x5d: {  	[bflag:$0x0] =	sbarrier.arrive $0xFFFF  }
0x5e: {  	p0 =	sne.s32 s0, $0x0;
	_ =	strace $0x9000004D  }
0x5f: {  	s0 =	sadd.s32 @!p0 $0x100000, s1;
	[bflag:$0x2] =	sbarrier.arrive $0xFFFF  }
0x60: {  	[sflag:s0] =	ssyncadd.tile.s32 @!p0 $0x1;
	_ =	shalt  }
.Lfunc_end2:
_tile_overlayer_lowered:
.L_overlay_start_2:
0x61: {  	(tag) =	ssettag $0x2  }
0x62: {  	s0 =	rddreg [dreg:$0x0];
	s2 =	stileid.u32  }
0x63: {  	s1 =	rddreg [dreg:$0x1];
	p0 =	sne.s32 s2, $0x0  }
0x64: {  	s3 =	rddreg [dreg:$0x2];
	[bflag:$0x3] =	sbarrier.arrive $0xFFFF;
	s2 =	simm.s32 @!p0 $0x1C02  }
0x65: {  	[timem:s3], [sflag:s2] =	dma.local @!p0 [hbm:s0], s1  }
0x66: {  	s0 =	simm.s32 @!p0 $0x2  }
0x67: {  	_ =	swait.ge @!p0 [sflag:s0], s1  }
0x68: {  	s1 =	ssub.s32 @!p0 $0x0, s1;
	[sflag:s0] =	ssyncset.done @!p0 $0x0  }
0x69: {  	[sflag:s0] =	ssyncadd.s32 @!p0 s1  }
0x6a: {  	[bflag:$0x3] =	sbarrier.arrive $0xFFFF  }
0x6b: {  	_ =	shalt  }

// kernel: kernel.8.cloned.1.call-start
scs
__scs_entry_jumppad:
0x0: {  	(pc) =	sbr.rel $0x88, $3  }
0x1: {  	(tag) =	ssettag $0x0;
	lr =	simm.s32 $0x1  }
0x2: {  	[smem:$0x3F97] =	sst lr;
	_ =	strace $0xD0000000  }
0x3: {  	_ = 	snop  }
0x4: {  	_ = 	snop  }
0x5: {  	_ = 	snop  }
0x6: {  	_ = 	snop  }
0x7: {  	_ = 	snop  }
__scs_overlays_trampoline_lowered:
0x8: {  	[smem:$0x3FA6] =	sst s0  }
0x9: {  	[smem:$0x3FA7] =	sst s1  }
0xa: {  	[smem:$0x3FA8] =	sst s2  }
0xb: {  	[smem:$0x3FA9] =	sst s3  }
0xc: {  	[smem:$0x3FAA] =	sst s4  }
0xd: {  	[smem:$0x3FAB] =	sst s5  }
0xe: {  	[smem:$0x3FAC] =	sst s6  }
0xf: {  	[smem:$0x3FAD] =	sst s7  }
0x10: {  	[smem:$0x3FAE] =	sst s8  }
0x11: {  	[smem:$0x3FAF] =	sst s9;
	s0 =	simm.s32 @!p0 $0x0  }
0x12: {  	s1 =	sld [smem:$0x3F95];
	s0 =	simm.s32 @p0 $0x1  }
0x13: {  	[smem:$0x3FB0] =	sst s0;
	s0 =	simm.s32 @!p1 $0x0  }
0x14: {  	s2 =	sld [smem:$0x3F94];
	s0 =	simm.s32 @p1 $0x1  }
0x15: {  	[smem:$0x3FB1] =	sst s0;
	s0 =	simm.s32 @!p2 $0x0  }
0x16: {  	s3 =	sld [smem:$0x3FDB];
	s0 =	simm.s32 @p2 $0x1  }
0x17: {  	s4 =	simm.s32 $0x1BF5;
	[smem:$0x3FB3] =	sst s0  }
0x18: {  	s0 =	sld [smem:$0x3F96];
	_ =	swait.ge [sflag:s4], $0x0  }
0x19: {  	s7 =	sld [smem:$0x3F97]  }
0x1a: {  	s8 =	sadd.s32 $0xFFFFE003, lr  }
0x1b: {  	s9 =	sadd.s32 $0xFFFFFEF7, lr;
	s5 =	simm.s32 $0xFFFFFFFF;
	p2 =	slt.u32 s8, $0xFFFFF086  }
0x1c: {  	p1 =	slt.u32 s9, $0xF7A;
	s5 =	simm.s32 @!p2 $0x0  }
0x1d: {  	s5 =	simm.s32 @p1 $0x1;
	p0 =	seq.s32 s7, s2  }
0x1e: {  	s7 =	smul.u32 @!p0 $0xF7A, s2;
	p2 =	seq.s32 @!p0 s5, $0x0  }
0x1f: {  	s9 =	smul.u32 $0xF7A, s1;
	s8 =	simm.s32 @!p0 $0x1BF5;
	p2 =	por !p2, p0  }
0x20: {  	[sflag:s8] =	ssyncset.s32 @!p0 $0xFFFFF086;
	s6 =	sadd.s32 @!p0 s3, s7;
	s7 =	simm.s32 @!p0 $0x108  }
0x21: {  	s3 =	sadd.s32 s3, s9;
	s6 =	sadd.s32 @!p0 $0x88, s6;
	s7 =	simm.s32 @p2 $0x1082  }
0x22: {  	[simem:s7], [sflag:s8] =	dma.local @!p0 [hbm:s6], $0xF7A  }
0x23: {  	s9 =	sor.u32 $0xD0000000, s2;
	s6 =	simm.s32 $0x108;
	_ =	swait.ge @!p0 [sflag:s8], $0x0  }
0x24: {  	s3 =	sadd.s32 $0x88, s3;
	s6 =	simm.s32 @!p1 $0x1082;
	[sflag:s4] =	ssyncset.s32 $0xFFFFF086  }
0x25: {  	[simem:s6], [sflag:s4] =	dma.local [hbm:s3], $0xF7A  }
0x26: {  	[smem:$0x3F97] =	sst s1;
	(tag) =	ssettag s2;
	_ =	strace s9  }
0x27: {  	s1 =	sld [smem:$0x3FA7]  }
0x28: {  	s2 =	sld [smem:$0x3FA8]  }
0x29: {  	s4 =	sld [smem:$0x3FAA]  }
0x2a: {  	p0 =	seq.s32 s5, $0x0;
	s5 =	sld [smem:$0x3FAB]  }
0x2b: {  	s6 =	sld [smem:$0x3FAC]  }
0x2c: {  	s7 =	sld [smem:$0x3FAD]  }
0x2d: {  	s3 =	simm.s32 $0x108;
	s8 =	sld [smem:$0x3FAE]  }
0x2e: {  	s3 =	simm.s32 @!p0 $0x1082;
	s9 =	sld [smem:$0x3FAF]  }
0x2f: {  	lr =	sadd.s32 s0, s3;
	s0 =	sld [smem:$0x3FA6]  }
0x30: {  	s3 =	sld [smem:$0x3FA9]  }
0x31: {  	[smem:$0x3FB2] =	sst s10  }
0x32: {  	s10 =	sld [smem:$0x3FB0];
	_ =	sdelay $0x3  }
0x33: {  	p0 =	seq.s32 s10, $0x1;
	s10 =	sld [smem:$0x3FB2];
	_ =	sdelay $0x3  }
0x34: {  	[smem:$0x3FB2] =	sst s10  }
0x35: {  	s10 =	sld [smem:$0x3FB1];
	_ =	sdelay $0x3  }
0x36: {  	p1 =	seq.s32 s10, $0x1;
	s10 =	sld [smem:$0x3FB2];
	_ =	sdelay $0x3  }
0x37: {  	[smem:$0x3FB2] =	sst s10  }
0x38: {  	s10 =	sld [smem:$0x3FB3]  }
0x39: {  	_ = 	snop;
	(pc) =	sbr.ind lr, $3  }
0x3a: {  	_ = 	snop  }
0x3b: {  	_ = 	snop  }
0x3c: {  	p2 =	seq.s32 s10, $0x1;
	s10 =	sld [smem:$0x3FB2]  }
0x3d: {  	_ =	shalt  }
0x3e: {  	_ =	shalt  }
0x3f: {  	_ =	shalt  }
0x40: {  	_ =	shalt  }
0x41: {  	_ =	shalt  }
0x42: {  	_ =	shalt  }
0x43: {  	_ =	shalt  }
0x44: {  	_ =	shalt  }
0x45: {  	_ =	shalt  }
0x46: {  	_ =	shalt  }
0x47: {  	_ =	shalt  }
0x48: {  	_ =	shalt  }
0x49: {  	_ =	shalt  }
0x4a: {  	_ =	shalt  }
0x4b: {  	_ =	shalt  }
0x4c: {  	_ =	shalt  }
0x4d: {  	_ =	shalt  }
0x4e: {  	_ =	shalt  }
0x4f: {  	_ =	shalt  }
0x50: {  	_ =	shalt  }
0x51: {  	_ =	shalt  }
0x52: {  	_ =	shalt  }
0x53: {  	_ =	shalt  }
0x54: {  	_ =	shalt  }
0x55: {  	_ =	shalt  }
0x56: {  	_ =	shalt  }
0x57: {  	_ =	shalt  }
0x58: {  	_ =	shalt  }
0x59: {  	_ =	shalt  }
0x5a: {  	_ =	shalt  }
0x5b: {  	_ =	shalt  }
0x5c: {  	_ =	shalt  }
0x5d: {  	_ =	shalt  }
0x5e: {  	_ =	shalt  }
0x5f: {  	_ =	shalt  }
0x60: {  	_ =	shalt  }
0x61: {  	_ =	shalt  }
0x62: {  	_ =	shalt  }
0x63: {  	_ =	shalt  }
0x64: {  	_ =	shalt  }
0x65: {  	_ =	shalt  }
0x66: {  	_ =	shalt  }
0x67: {  	_ =	shalt  }
0x68: {  	_ =	shalt  }
0x69: {  	_ =	shalt  }
0x6a: {  	_ =	shalt  }
0x6b: {  	_ =	shalt  }
0x6c: {  	_ =	shalt  }
0x6d: {  	_ =	shalt  }
0x6e: {  	_ =	shalt  }
0x6f: {  	_ =	shalt  }
0x70: {  	_ =	shalt  }
0x71: {  	_ =	shalt  }
0x72: {  	_ =	shalt  }
0x73: {  	_ =	shalt  }
0x74: {  	_ =	shalt  }
0x75: {  	_ =	shalt  }
0x76: {  	_ =	shalt  }
0x77: {  	_ =	shalt  }
0x78: {  	_ =	shalt  }
0x79: {  	_ =	shalt  }
0x7a: {  	_ =	shalt  }
0x7b: {  	_ =	shalt  }
0x7c: {  	_ =	shalt  }
0x7d: {  	_ =	shalt  }
0x7e: {  	_ =	shalt  }
0x7f: {  	_ =	shalt  }
0x80: {  	_ =	shalt  }
0x81: {  	_ =	shalt  }
0x82: {  	_ =	shalt  }
0x83: {  	_ =	shalt  }
0x84: {  	_ =	shalt  }
0x85: {  	_ =	shalt  }
0x86: {  	_ =	shalt  }
0x87: {  	_ =	shalt  }
.Lfunc_end0:
.L_simem_size_0:
called_computation_lowered:
.L_overlay_start_0:
0x88: {  	s2 =	sld [smem:$0x3FD9]  }
0x89: {  	s3 =	sld [smem:$0x3FFE];
	_ =	sdelay $0x1  }
0x8a: {  	s1 =	srdreg.scid  }
0x8b: {  	s0 =	sand.u32 $0x1, s1  }
0x8c: {  	s16 =	sshll.u32 s0, $0xA;
	s2 =	sadd.s32 s3, s2  }
0x8d: {  	s2 =	sadd.s32 s2, s16  }
0x8e: {  	[smem:$0x3FBE] =	sst s2  }
0x8f: {  	_ = 	snop  }
0x90: {  	(tm) =	ssettm $0x1  }
0x91: {  	s17 =	sld [smem:$0x3FFB];
	_ =	sdelay $0x3  }
0x92: {  	_ =	strace s17  }
0x93: {  	s2 =	sld [smem:$0x3FFC];
	_ =	sdelay $0x3  }
0x94: {  	_ =	strace s2  }
0x95: {  	s2 =	sld [smem:$0x3FFD];
	_ =	sdelay $0x3  }
0x96: {  	_ =	strace s2  }
0x97: {  	_ =	strace $0x8FFFFFFF  }
0x98: {  	s18 =	sld [smem:$0x3FDB];
	_ =	sdelay $0x1  }
0x99: {  	s19 =	simm.s32 $_scs_section_size  }
0x9a: {  	s4 =	simm.s32 $_size__tile_overlayer_lowered;
	s5 =	simm.s32 $_tile_overlayer_lowered  }
0x9b: {  	s22 =	simm.s32 $0x1BFF;
	s21 =	sshll.u32 s5, $0x1;
	s2 =	sadd.s32 s19, s18  }
0x9c: {  	s6 =	simm.s32 $0x0;
	s20 =	sshll.u32 s4, $0x1;
	s4 =	sadd.s32 s21, s2  }
0x9d: {  	[timem:s6], [sflag:s22] =	dma.local [hbm:s4], s20  }
0x9e: {  	_ =	swait.ge [sflag:s22], s20  }
0x9f: {  	s3 =	ssub.s32 $0x0, s20;
	[sflag:s22] =	ssyncset.done $0x0  }
0xa0: {  	[sflag:s22] =	ssyncadd.s32 s3;
	_ =	sdelay $0x1  }
0xa1: {  	s23 =	simm.s32 $0x1B8B  }
0xa2: {  	_ =	swait.ge [sflag:s23], $0x1  }
0xa3: {  	[sflag:s23] =	ssyncset.done $0x0  }
0xa4: {  	s25 =	simm.s32 $0x1B8E;
	s24 =	sld [smem:$0x3FFE];
	[sflag:s23] =	ssyncadd.s32 $0xFFFFFFFF  }
0xa5: {  	s26 =	simm.s32 $execute0_lowered;
	[smem:$0x3FD2] =	sst s25  }
0xa6: {  	s4 =	sshll.u32 s26, $0x1;
	_ =	strace $0x80000046;
	[dreg:$0x1] =	wrdreg $0xFFFFFFFF  }
0xa7: {  	s28 =	simm.s32 $_size_execute0_lowered;
	s2 =	sadd.s32 s2, s4;
	[dreg:$0x0] =	wrdreg $0x0  }
0xa8: {  	s4 =	sshll.u32 s28, $0x1;
	[dreg:$0x2] =	wrdreg s2  }
0xa9: {  	[dreg:$0x3] =	wrdreg s4  }
0xaa: {  	[dreg:$0x4] =	wrdreg $0xC0  }
0xab: {  	_ =	task [dreg:s6], $0x5FFFF  }
0xac: {  	[dreg:$0x1] =	wrdreg $0xFFFFFFFF  }
0xad: {  	[dreg:$0x0] =	wrdreg $0x60  }
0xae: {  	[dreg:$0x2] =	wrdreg s24  }
0xaf: {  	[dreg:$0x3] =	wrdreg $0x40800  }
0xb0: {  	[dreg:$0x4] =	wrdreg $0x9  }
0xb1: {  	_ =	task.clear_ibuf [dreg:s6], $0x5FFFF;
	_ =	strace $0x90000046  }
0xb2: {  	s29 =	simm.s32 $0x9;
	_ =	strace $0x80000048  }
0xb3: {  	_ =	swait.ge [sflag:s29], $0x1  }
0xb4: {  	[sflag:s29] =	ssyncadd.s32 $0xFFFFFFFF  }
0xb5: {  	_ =	strace $0x90000048  }
0xb6: {  	_ =	sfence  }
0xb7: {  	s30 =	sld [smem:$0x0];
	_ =	sdelay $0x2  }
0xb8: {  	s31 =	sshll.u32 s1, $0xD;
	s1 =	sshrl.u32 s1, $0x2  }
0xb9: {  	s3 =	sand.u32 $0x4000, s31;
	s1 =	sadd.s32 s1, s30  }
0xba: {  	s0 =	sor.u32 s3, s0;
	s1 =	sshll.u32 s1, $0x11  }
0xbb: {  	s0 =	sor.u32 s1, s0  }
0xbc: {  	s0 =	sadd.s32 $0x8F2B, s0  }
0xbd: {  	[sflag:s0] =	ssyncadd.remote.s32 $0x1  }
0xbe: {  	_ =	sfence.sel $0xFFFF  }
0xbf: {  	[dreg:$0x0] =	wrdreg $0xFFFFFFFF;
	(pc) =	sbr.abs _section_cstart, $3  }
0xc0: {  	[dreg:$0x1] =	wrdreg $0xFFFFFFFF  }
0xc1: {  	_ =	task.clear_ibuf [dreg:s6], $0x2FFFF;
	_ =	strace $0x9FFFFFFF  }
0xc2: {  	(tm) =	ssettm $0x7FFFFFFF  }
0xc3: {  	_ =	shalt  }
tec
execute0_lowered:
.L_overlay_start_1:
0x0: {  	(tag) =	ssettag $0x1  }
0x1: {  	s4 =	rddreg [dreg:$0x0]  }
0x2: {  	s0 =	stileid.u32;
	s1 =	srdreg.scid  }
0x3: {  	s2 =	rddreg [dreg:$0x1];
	s3 =	simm.s32 $0x0;
	s5 =	smul.u32 $0x9E0, s0  }
0x4: {  	s6 =	sand.u32 $0x1, s1;
	s7 =	smul.u32 $0x2780, s0;
	s1 =	rddreg [dreg:$0x2]  }
0x5: {  	s16 =	simm.s32 $0x0;
	[smem:$0x7FF] =	sst s3;
	s9 =	smul.u32 $0x4F000, s0  }
0x6: {  	s14 =	sshll.u32 s0, $0x6;
	s8 =	smul.u32 $0x27800, s6;
	_ =	strace $0x80000047  }
0x7: {  	s28 =	ssub.s32 $0x2, s6;
	s31 =	smul.u32 $0x4F0, s6;
	s14 =	sor.u32 $0x1C01, s14  }
0x8: {  	s10 =	sadd.s32 s5, s4;
	s29 =	sshrl.u32 s9, $0x2;
	s30 =	sshrl.u32 s28, $0x1  }
0x9: {  	s26 =	sadd.s32 s7, s8;
	s12 =	ssub.s32 s28, s30;
	s13 =	sadd.s32 s31, s10  }
0xa: {  	s11 =	sadd.s32 s26, s4;
	s4 =	sadd.s32 s29, s2;
	s10 =	smax.u32 s12, $0x1  }
0xb: {  	s12 =	simm.s32 $0x80;
	s5 =	sadd.s32 $0x4000, s4;
	s6 =	sadd.s32 $0x8000, s4  }
0xc: {  	s7 =	sadd.s32 $0xC000, s4;
	s8 =	sadd.s32 $0x10000, s4;
	s9 =	sadd.s32 $0xCE00, s11  }
0xd: {  	v0 =	vimm.f32 $0.0e+00;
	v1 =	vimm.f32 $1.000000000e+00;
	s11 =	sadd.s32 $0x3000, s13;
	s13 =	simm.s32 $0x1;
	s15 =	sshrl.u32 s4, $0x3  }
.LBB2_1:
0xe: {  	s17 =	simm.s32 $0x0;
	s18 =	simm.s32 $0x200  }
.LBB2_2:
0xf: {  	p0 =	sne.s32 s18, $0xFE00;
	[tilespmem:s17+$0xF0] =	vst v0  }
0x10: {  	[tilespmem:s17+$0x80] =	vst v0  }
0x11: {  	[tilespmem:s17+$0x90] =	vst v0  }
.Ltmp0:
0x12: {  	[tilespmem:s17+$0xA0] =	vst v0;
	(pc) =	sbr.rel @p0 .LBB2_2-.Ltmp0, $4  }
0x13: {  	[tilespmem:s17+$0xB0] =	vst v0  }
0x14: {  	[tilespmem:s17+$0xC0] =	vst v0  }
0x15: {  	[tilespmem:s17+$0xD0] =	vst v0  }
0x16: {  	[tilespmem:s17+$0xE0] =	vst v0;
	s17 =	sshra.s32 s18, $0x2;
	s18 =	sadd.s32 $0x200, s18  }
0x17: {  	[tilespmem:s17+$0xF0] =	vst v0  }
0x18: {  	[tilespmem:s17+$0x80] =	vst v0  }
0x19: {  	[tilespmem:s17+$0x90] =	vst v0  }
0x1a: {  	[tilespmem:s17+$0xA0] =	vst v0  }
0x1b: {  	[tilespmem:s17+$0xB0] =	vst v0  }
0x1c: {  	[tilespmem:s17+$0xC0] =	vst v0  }
0x1d: {  	[tilespmem:s17+$0xD0] =	vst v0  }
0x1e: {  	[tilespmem:s17+$0xE0] =	vst v0  }
0x1f: {  	[spmem:s4] =	stream.linear.scatter [tilespmem:s12], [sflag:$0x1], $0x4000, $0x38;
	[tilespmem:$0x17C80] =	vst v63  }
0x20: {  	_ =	swait.ge [sflag:s13], $0x4000  }
0x21: {  	[sflag:s13] =	ssyncset.done $0x0  }
0x22: {  	[sflag:s13] =	ssyncadd.s32 $0xFFFFC000  }
0x23: {  	[spmem:s5] =	stream.linear.scatter [tilespmem:s12], [sflag:$0x1], $0x4000, $0x38;
	[tilespmem:$0x17C80] =	vst v63  }
0x24: {  	_ =	swait.ge [sflag:s13], $0x4000  }
0x25: {  	[sflag:s13] =	ssyncset.done $0x0  }
0x26: {  	[sflag:s13] =	ssyncadd.s32 $0xFFFFC000  }
0x27: {  	[spmem:s6] =	stream.linear.scatter [tilespmem:s12], [sflag:$0x1], $0x4000, $0x38;
	[tilespmem:$0x17C80] =	vst v63  }
0x28: {  	_ =	swait.ge [sflag:s13], $0x4000  }
0x29: {  	[sflag:s13] =	ssyncset.done $0x0  }
0x2a: {  	[sflag:s13] =	ssyncadd.s32 $0xFFFFC000  }
0x2b: {  	[spmem:s7] =	stream.linear.scatter [tilespmem:s12], [sflag:$0x1], $0x4000, $0x38;
	[tilespmem:$0x17C80] =	vst v63  }
0x2c: {  	_ =	swait.ge [sflag:s13], $0x4000  }
0x2d: {  	[sflag:s13] =	ssyncset.done $0x0  }
0x2e: {  	[sflag:s13] =	ssyncadd.s32 $0xFFFFC000  }
0x2f: {  	[spmem:s8] =	stream.linear.scatter [tilespmem:s12], [sflag:$0x1], $0x3C00, $0x38;
	[tilespmem:$0x17C80] =	vst v63  }
0x30: {  	_ =	swait.ge [sflag:s13], $0x3C00  }
0x31: {  	[sflag:s13] =	ssyncset.done $0x0  }
0x32: {  	[sflag:s13] =	ssyncadd.s32 $0xFFFFC400  }
0x33: {  	s17 =	simm.s32 $0x0;
	s18 =	simm.s32 $0x200;
	[bflag:$0x0] =	sbarrier.arrive $0xFFFF  }
.LBB2_4:
0x34: {  	p0 =	sne.s32 s18, $0xFE00;
	[tilespmem:s17+$0xF0] =	vst v1  }
0x35: {  	[tilespmem:s17+$0x80] =	vst v1  }
0x36: {  	[tilespmem:s17+$0x90] =	vst v1  }
.Ltmp1:
0x37: {  	[tilespmem:s17+$0xA0] =	vst v1;
	(pc) =	sbr.rel @p0 .LBB2_4-.Ltmp1, $4  }
0x38: {  	[tilespmem:s17+$0xB0] =	vst v1  }
0x39: {  	[tilespmem:s17+$0xC0] =	vst v1  }
0x3a: {  	[tilespmem:s17+$0xD0] =	vst v1  }
0x3b: {  	[tilespmem:s17+$0xE0] =	vst v1;
	s17 =	sshra.s32 s18, $0x2;
	s18 =	sadd.s32 $0x200, s18  }
0x3c: {  	[tilespmem:s17+$0xF0] =	vst v1  }
0x3d: {  	[tilespmem:s17+$0x80] =	vst v1  }
0x3e: {  	[tilespmem:s17+$0x90] =	vst v1  }
0x3f: {  	[tilespmem:s17+$0xA0] =	vst v1  }
0x40: {  	[tilespmem:s17+$0xB0] =	vst v1  }
0x41: {  	[tilespmem:s17+$0xC0] =	vst v1  }
0x42: {  	[tilespmem:s17+$0xD0] =	vst v1  }
0x43: {  	[tilespmem:s17+$0xE0] =	vst v1;
	s31 =	sadd.s32 $0x0, s11  }
0x44: {  	[tilespmem:s3], [sflag:$0x1] =	stream.linear.gather [hbm4b:s31+s3], $0x80, $0x38;
	[tilespmem:$0x17C80] =	vst v63  }
0x45: {  	_ =	swait.ge [sflag:s13], $0x80  }
0x46: {  	[sflag:s13] =	ssyncset.done $0x0  }
0x47: {  	[sflag:s13] =	ssyncadd.s32 $0xFFFFFF80  }
0x48: {  	[spmem:s2] =	stream.indirect.scatter.add.f32 [tilespmem:s12], [sflag:$0x1], $0x80, s3, s12, $0xb8;
	[tilespmem:$0x17C80] =	vst v63  }
0x49: {  	_ =	swait.ge [sflag:s13], $0x4000  }
0x4a: {  	s17 =	simm.s32 $0x10;
	s18 =	simm.s32 $0x20;
	[sflag:s13] =	ssyncset.done $0x0  }
.LBB2_6:
0x4b: {  	s19 =	sadd.s32 s17, s11  }
0x4c: {  	[sflag:s13] =	ssyncadd.s32 $0xFFFFC000;
	s17 =	smov.u32 s18;
	s20 =	sadd.s32 $0x10, s18  }
0x4d: {  	[tilespmem:s3], [sflag:$0x1] =	stream.linear.gather [hbm4b:s19+s3], $0x80, $0x38;
	[tilespmem:$0x17C80] =	vst v63  }
0x4e: {  	p0 =	sne.s32 s18, $0x4E0;
	_ =	swait.ge [sflag:s13], $0x80  }
.Ltmp2:
0x4f: {  	[sflag:s13] =	ssyncset.done $0x0;
	(pc) =	sbr.rel @p0 .LBB2_6-.Ltmp2, $4  }
0x50: {  	[sflag:s13] =	ssyncadd.s32 $0xFFFFFF80  }
0x51: {  	[spmem:s2] =	stream.indirect.scatter.add.f32 [tilespmem:s12], [sflag:$0x1], $0x80, s3, s12, $0xb8;
	[tilespmem:$0x17C80] =	vst v63  }
0x52: {  	_ =	swait.ge [sflag:s13], $0x4000  }
0x53: {  	s18 =	smov.u32 s20;
	[sflag:s13] =	ssyncset.done $0x0  }
0x54: {  	s17 =	sadd.s32 s17, s11;
	[sflag:s13] =	ssyncadd.s32 $0xFFFFC000  }
0x55: {  	[tilespmem:s3], [sflag:$0x1] =	stream.linear.gather [hbm4b:s17+s3], $0x80, $0x38;
	[tilespmem:$0x17C80] =	vst v63  }
0x56: {  	_ =	swait.ge [sflag:s13], $0x80  }
0x57: {  	[sflag:s13] =	ssyncset.done $0x0  }
0x58: {  	[sflag:s13] =	ssyncadd.s32 $0xFFFFFF80  }
0x59: {  	[spmem:s2] =	stream.indirect.scatter.add.f32 [tilespmem:s12], [sflag:$0x1], $0x80, s3, s12, $0xb8;
	[tilespmem:$0x17C80] =	vst v63  }
0x5a: {  	_ =	swait.ge [sflag:s13], $0x4000  }
0x5b: {  	s16 =	sadd.s32 $0x1, s16;
	[sflag:s13] =	ssyncset.done $0x0  }
0x5c: {  	p0 =	sne.s32 s16, s10;
	[sflag:s13] =	ssyncadd.s32 $0xFFFFC000  }
.Ltmp3:
0x5d: {  	[bflag:$0x0] =	sbarrier.arrive $0xFFFF;
	(pc) =	sbr.rel @p0 .LBB2_1-.Ltmp3, $4  }
0x5e: {  	[hbm:s9], [sflag:s14] =	dma.local [spmem:s15], $0x2780  }
0x5f: {  	_ =	swait.ge [sflag:s13], $0x2780  }
0x60: {  	[sflag:s13] =	ssyncset.done $0x0  }
0x61: {  	[sflag:s13] =	ssyncadd.s32 $0xFFFFD880  }
0x62: {  	_ =	sfence.sel $0x180000  }
0x63: {  	[bflag:$0x0] =	sbarrier.arrive $0xFFFF  }
0x64: {  	p0 =	sne.s32 s0, $0x0;
	_ =	strace $0x90000047  }
0x65: {  	s0 =	sadd.s32 @!p0 $0x100000, s1;
	[bflag:$0x2] =	sbarrier.arrive $0xFFFF  }
0x66: {  	[sflag:s0] =	ssyncadd.tile.s32 @!p0 $0x1;
	_ =	shalt  }
.Lfunc_end2:
_tile_overlayer_lowered:
.L_overlay_start_2:
0x67: {  	(tag) =	ssettag $0x2  }
0x68: {  	s0 =	rddreg [dreg:$0x0];
	s2 =	stileid.u32  }
0x69: {  	s1 =	rddreg [dreg:$0x1];
	p0 =	sne.s32 s2, $0x0  }
0x6a: {  	s3 =	rddreg [dreg:$0x2];
	[bflag:$0x3] =	sbarrier.arrive $0xFFFF;
	s2 =	simm.s32 @!p0 $0x1C01  }
0x6b: {  	[timem:s3], [sflag:s2] =	dma.local @!p0 [hbm:s0], s1  }
0x6c: {  	s0 =	simm.s32 @!p0 $0x1  }
0x6d: {  	_ =	swait.ge @!p0 [sflag:s0], s1  }
0x6e: {  	s1 =	ssub.s32 @!p0 $0x0, s1;
	[sflag:s0] =	ssyncset.done @!p0 $0x0  }
0x6f: {  	[sflag:s0] =	ssyncadd.s32 @!p0 s1  }
0x70: {  	[bflag:$0x3] =	sbarrier.arrive $0xFFFF  }
0x71: {  	_ =	shalt  }

</sc_bundles>
